<compile_context>
chip_gen: v7x
topology: tpu7x:2x2x1
jax: 0.10.2.dev20260603
libtpu: 0.0.44.dev20260713+nightly
codegen_flags: <defaults>
</compile_context>

<pallas_src>
import functools

import jax
import jax.numpy as jnp
from jax import lax
from jax.experimental import pallas as pl
from jax.experimental.pallas import tpu as pltpu
from jax.experimental.pallas import tpu_sc as plsc

_NUM_EMB = 384
_BYTE_DIM = 96
_EMB_DIM = 768
_B = 4
_L = 8192
_T = 2048
_SCALE = float(_BYTE_DIM) ** 0.5

_WIDTH = 128
_NW = 32
_CHUNK = (_B * _L) // _NW
_NIDX = 128
_NCH = _CHUNK // _NIDX
_ACC_ROWS = 2 * _T
_SLICE = _ACC_ROWS // 16


@functools.partial(
    pl.kernel,
    mesh=plsc.VectorSubcoreMesh(core_axis_name="c", subcore_axis_name="s"),
    out_type=jax.ShapeDtypeStruct((_B * _T, _WIDTH), jnp.float32),
    scratch_types=[
        pltpu.VMEM((_NCH, _NIDX), jnp.int32),
        pltpu.VMEM((_NCH, _NIDX), jnp.int32),
        pltpu.VMEM((_NIDX, _WIDTH), jnp.float32),
        pltpu.VMEM((_NIDX, _WIDTH), jnp.float32),
        pltpu.VMEM((_NIDX, _WIDTH), jnp.float32),
        pltpu.VMEM((_NIDX, _WIDTH), jnp.float32),
        pltpu.VMEM((_NIDX, _WIDTH), jnp.float32),
        pltpu.VMEM_SHARED((_ACC_ROWS, _WIDTH), jnp.float32),
        pltpu.SemaphoreType.DMA,
        pltpu.SemaphoreType.DMA,
        pltpu.SemaphoreType.DMA,
        pltpu.SemaphoreType.DMA,
        pltpu.SemaphoreType.DMA,
        pltpu.SemaphoreType.DMA,
        pltpu.SemaphoreType.DMA,
        pltpu.SemaphoreType.DMA,
    ],
)
def _seg_sum_sc(xr_hbm, bgr_hbm, tab_hbm, out_hbm, gidx, sidx, rows0, rows1,
                rows2, rows3, zbuf, acc, gs0, gs1, gs2, gs3, ss0, ss1, ss2, ss3):
    c = lax.axis_index("c")
    s = lax.axis_index("s")
    w = c * 16 + s

    cpx = pltpu.async_copy(xr_hbm.at[w], gidx, gs0)
    cpb = pltpu.async_copy(bgr_hbm.at[w], sidx, ss0)

    def _zero_row(i, carry):
        for k in range(_WIDTH // 16):
            zbuf[i, pl.ds(k * 16, 16)] = jnp.zeros((16,), jnp.float32)
        return carry

    lax.fori_loop(0, _NIDX, _zero_row, 0)
    cpx.wait()

    bufs = (rows0, rows1, rows2, rows3)
    gsems = (gs0, gs1, gs2, gs3)
    ssems = (ss0, ss1, ss2, ss3)
    gcp = [pltpu.async_copy(tab_hbm.at[gidx.at[b]], bufs[b], gsems[b])
           for b in range(4)]
    cpb.wait()

    off = (s // 8) * _T
    for j in range(_NCH):
        for k in range(_NIDX // 16):
            sl = pl.ds(k * 16, 16)
            sidx[j, sl] = sidx[j, sl] + off

    for r in range(_SLICE // _NIDX):
        pltpu.sync_copy(zbuf, acc.at[pl.ds(s * _SLICE + r * _NIDX, _NIDX)])
    plsc.subcore_barrier()

    for j in range(_NCH):
        b = j % 4
        gcp[b].wait()
        pltpu.sync_copy(bufs[b], acc.at[sidx.at[j]], add=True)
        r = j + 4
        if r < _NCH:
            gcp[b] = pltpu.async_copy(tab_hbm.at[gidx.at[r]], bufs[b], gsems[b])
    plsc.subcore_barrier()

    base = c * _ACC_ROWS + s * _SLICE
    pltpu.sync_copy(acc.at[pl.ds(s * _SLICE, _SLICE)], out_hbm.at[pl.ds(base, _SLICE)])


_ROWS_TC = 2048


def _proj_tc(s_ref, w_ref, o_ref):
    sv = s_ref[...]
    cnt = lax.slice(sv, (0, _BYTE_DIM), (_ROWS_TC, _BYTE_DIM + 1))
    mult = _SCALE / jnp.maximum(cnt, 1.0)
    a = lax.slice(sv, (0, 0), (_ROWS_TC, _BYTE_DIM)) * mult
    o_ref[...] = lax.dot_general(
        a.astype(jnp.bfloat16), w_ref[...].astype(jnp.bfloat16),
        (((1,), (1,)), ((), ())),
        preferred_element_type=jnp.float32)


def kernel(x, byte_groups, table, W_out):
    xr = x.astype(jnp.int32).reshape(_NW, _NCH, _NIDX)
    bgr = byte_groups.astype(jnp.int32).reshape(_NW, _NCH, _NIDX)
    tab = jnp.zeros((_NUM_EMB, _WIDTH), jnp.float32)
    tab = tab.at[:, :_BYTE_DIM].set(table).at[:, _BYTE_DIM].set(1.0)

    sums = _seg_sum_sc(xr, bgr, tab)

    out = pl.pallas_call(
        _proj_tc,
        grid=(_B * _T // _ROWS_TC,),
        in_specs=[
            pl.BlockSpec((_ROWS_TC, _WIDTH), lambda i: (i, 0)),
            pl.BlockSpec((_EMB_DIM, _BYTE_DIM), lambda i: (0, 0)),
        ],
        out_specs=pl.BlockSpec((_ROWS_TC, _EMB_DIM), lambda i: (i, 0)),
        out_shape=jax.ShapeDtypeStruct((_B * _T, _EMB_DIM), jnp.float32),
    )(sums, W_out)
    return out.reshape(_B, _T, _EMB_DIM)

# --- scband reference (transcript-rebuilt; emitter-appended) ---
"""Pipeline reference for scband-byte-embedding-38826504356332 (READ-ONLY COPY).

The authoritative reference and input builder live on the scoring server;
editing this copy changes nothing except your own understanding.
"""

import jax, jax.numpy as jnp
import numpy as np

NUM_EMB = 384
BYTE_DIM = 96
EMB_DIM = 768
B = 4
L = 8192
T = 2048
PAD = 0


def setup_inputs(seed: int = 0) -> dict:
    key = jax.random.key(seed)
    k1, k2, k3, k4 = jax.random.split(key, 4)
    x = jax.random.randint(k1, (B, L), 0, NUM_EMB, dtype=jnp.int32)
    byte_groups = jnp.sort(jax.random.randint(k2, (B, L), 0, T, dtype=jnp.int32), axis=-1)
    # TokenEmbedding: normal(0, byte_dim^-0.5), pad row zeroed
    table = jax.random.normal(k3, (NUM_EMB, BYTE_DIM), dtype=jnp.float32) * (BYTE_DIM ** -0.5)
    table = table.at[PAD].set(0.0)
    # out_proj: Linear(byte_dim -> emb_dim, bias=False); weight shape [EMB_DIM, BYTE_DIM]
    W_out = jax.random.normal(k4, (EMB_DIM, BYTE_DIM), dtype=jnp.float32) * (BYTE_DIM ** -0.5)
    return {"x": x, "byte_groups": byte_groups, "table": table, "W_out": W_out}


def reference(x, byte_groups, table, W_out):
    scale = BYTE_DIM ** 0.5
    # TokenEmbedding forward: emb(x) * sqrt(byte_dim)
    byte_emb = jnp.take(table, x, axis=0) * scale  # [B, L, BYTE_DIM]

    # Grouping('mean'): segment-mean of bytes into tokens per batch row
    def seg_mean(data, seg):
        s = jax.ops.segment_sum(data, seg, num_segments=T)
        c = jax.ops.segment_sum(jnp.ones((data.shape[0],), data.dtype), seg, num_segments=T)
        return s / jnp.maximum(c, 1.0)[:, None]

    grouped = jax.vmap(seg_mean)(byte_emb, byte_groups)  # [B, T, BYTE_DIM]
    # out_proj (no bias)
    emb = grouped @ W_out.T  # [B, T, EMB_DIM]
    # token_drop is Dropout1d -> identity in eval; pos_embedding is None
    return emb

if __name__ == "__main__":
    import jax
    _d = setup_inputs()
    print(jax.jit(kernel)(*tuple(_d.values())))

</pallas_src>

<mosaic_0001>
#map = affine_map<(d0, d1) -> (0, 0, 0)>
#map1 = affine_map<(d0, d1) -> (0, 0)>
module attributes {stable_mosaic.version = 14 : i64} {
  func.func @_seg_sum_sc(%arg0: i32, %arg1: i32, %arg2: memref<32x8x128xi32, #tpu.memory_space<hbm>>, %arg3: memref<32x8x128xi32, #tpu.memory_space<hbm>>, %arg4: memref<384x128xf32, #tpu.memory_space<hbm>>, %arg5: memref<8192x128xf32, #tpu.memory_space<hbm>>, %arg6: memref<8x128xi32, #tpu.memory_space<vmem>>, %arg7: memref<8x128xi32, #tpu.memory_space<vmem>>, %arg8: memref<128x128xf32, #tpu.memory_space<vmem>>, %arg9: memref<128x128xf32, #tpu.memory_space<vmem>>, %arg10: memref<128x128xf32, #tpu.memory_space<vmem>>, %arg11: memref<128x128xf32, #tpu.memory_space<vmem>>, %arg12: memref<128x128xf32, #tpu.memory_space<vmem>>, %arg13: memref<4096x128xf32, #tpu.memory_space<vmem_shared>>, %arg14: memref<!tpu.dma_semaphore, #tpu.memory_space<semaphore_mem>>, %arg15: memref<!tpu.dma_semaphore, #tpu.memory_space<semaphore_mem>>, %arg16: memref<!tpu.dma_semaphore, #tpu.memory_space<semaphore_mem>>, %arg17: memref<!tpu.dma_semaphore, #tpu.memory_space<semaphore_mem>>, %arg18: memref<!tpu.dma_semaphore, #tpu.memory_space<semaphore_mem>>, %arg19: memref<!tpu.dma_semaphore, #tpu.memory_space<semaphore_mem>>, %arg20: memref<!tpu.dma_semaphore, #tpu.memory_space<semaphore_mem>>, %arg21: memref<!tpu.dma_semaphore, #tpu.memory_space<semaphore_mem>>) attributes {dimension_semantics = [#tpu.dimension_semantics<core_parallel>, #tpu.dimension_semantics<subcore_parallel>], iteration_bounds = array<i64: 2, 16>, scalar_prefetch = 0 : i64, scratch_operands = 16 : i64, tpu.core_type = #tpu.core_type<sc_vector_subcore>, window_params = [{transform_indices = #map}, {transform_indices = #map}, {transform_indices = #map1}, {transform_indices = #map1}]} {
    %mul3A = arith.constant 16 : i32
    %mul3A_0 = arith.muli %arg0, %mul3A : i32
    %add3A = arith.addi %mul3A_0, %arg1 : i32
    %dma_start3A = arith.constant 0 : i32
    %dma_start3A_1 = arith.constant 0 : i32
    %dma_start3A_2 = tpu.memref_slice %arg2[%add3A, %dma_start3A, %dma_start3A_1] : memref<32x8x128xi32, #tpu.memory_space<hbm>> -> memref<1x8x128xi32, #tpu.memory_space<hbm>>
    %dma_start3A_3 = tpu.memref_squeeze %dma_start3A_2 : memref<1x8x128xi32, #tpu.memory_space<hbm>> -> memref<8x128xi32, #tpu.memory_space<hbm>>
    %dma_start3A_4 = arith.constant 0 : i32
    %dma_start3A_5 = arith.constant 0 : i32
    %dma_start3A_6 = tpu.memref_slice %arg2[%add3A, %dma_start3A_4, %dma_start3A_5] : memref<32x8x128xi32, #tpu.memory_space<hbm>> -> memref<1x8x128xi32, #tpu.memory_space<hbm>>
    %dma_start3A_7 = tpu.memref_squeeze %dma_start3A_6 : memref<1x8x128xi32, #tpu.memory_space<hbm>> -> memref<8x128xi32, #tpu.memory_space<hbm>>
    tpu.enqueue_dma source(%dma_start3A_7 : memref<8x128xi32, #tpu.memory_space<hbm>>) target(%arg6 : memref<8x128xi32, #tpu.memory_space<vmem>>) target_semaphore(%arg14 : memref<!tpu.dma_semaphore, #tpu.memory_space<semaphore_mem>>)
    %dma_start3A_8 = arith.constant 0 : i32
    %dma_start3A_9 = arith.constant 0 : i32
    %dma_start3A_10 = tpu.memref_slice %arg3[%add3A, %dma_start3A_8, %dma_start3A_9] : memref<32x8x128xi32, #tpu.memory_space<hbm>> -> memref<1x8x128xi32, #tpu.memory_space<hbm>>
    %dma_start3A_11 = tpu.memref_squeeze %dma_start3A_10 : memref<1x8x128xi32, #tpu.memory_space<hbm>> -> memref<8x128xi32, #tpu.memory_space<hbm>>
    %dma_start3A_12 = arith.constant 0 : i32
    %dma_start3A_13 = arith.constant 0 : i32
    %dma_start3A_14 = tpu.memref_slice %arg3[%add3A, %dma_start3A_12, %dma_start3A_13] : memref<32x8x128xi32, #tpu.memory_space<hbm>> -> memref<1x8x128xi32, #tpu.memory_space<hbm>>
    %dma_start3A_15 = tpu.memref_squeeze %dma_start3A_14 : memref<1x8x128xi32, #tpu.memory_space<hbm>> -> memref<8x128xi32, #tpu.memory_space<hbm>>
    tpu.enqueue_dma source(%dma_start3A_15 : memref<8x128xi32, #tpu.memory_space<hbm>>) target(%arg7 : memref<8x128xi32, #tpu.memory_space<vmem>>) target_semaphore(%arg18 : memref<!tpu.dma_semaphore, #tpu.memory_space<semaphore_mem>>)
    %scan3A = arith.constant 0 : i32
    %scan3A_16 = arith.constant 0 : i32
    %scan3A_17 = arith.constant 128 : i32
    %scan3A_18 = arith.addi %scan3A_16, %scan3A_17 : i32
    %scan3A_19 = arith.constant 1 : i32
    scf.for %scan3A_1019 = %scan3A_16 to %scan3A_18 step %scan3A_19  : i32 {
      %broadcast_in_dim3A = arith.constant 0.000000e+00 : f32
      %broadcast_in_dim3A_1020 = vector.broadcast %broadcast_in_dim3A : f32 to vector<16xf32>
      %swap3A_1021 = arith.index_cast %scan3A_1019 : i32 to index
      %swap3A_1022 = arith.constant 0 : index
      %swap3A_1023 = tpu.vector_load %arg12[%swap3A_1021, %swap3A_1022] {strides = array<i32>} : memref<128x128xf32, #tpu.memory_space<vmem>>, vector<1x16xf32>,
      %swap3A_1024 = vector.shape_cast %swap3A_1023 : vector<1x16xf32> to vector<16xf32>
      %swap3A_1025 = vector.shape_cast %broadcast_in_dim3A_1020 : vector<16xf32> to vector<1x16xf32>
      tpu.vector_store %arg12[%swap3A_1021, %swap3A_1022], %swap3A_1025 {strides = array<i32>} : memref<128x128xf32, #tpu.memory_space<vmem>>, vector<1x16xf32>,
      %broadcast_in_dim3A_1026 = arith.constant 0.000000e+00 : f32
      %broadcast_in_dim3A_1027 = vector.broadcast %broadcast_in_dim3A_1026 : f32 to vector<16xf32>
      %swap3A_1028 = arith.index_cast %scan3A_1019 : i32 to index
      %swap3A_1029 = arith.constant 16 : index
      %swap3A_1030 = tpu.vector_load %arg12[%swap3A_1028, %swap3A_1029] {strides = array<i32>} : memref<128x128xf32, #tpu.memory_space<vmem>>, vector<1x16xf32>,
      %swap3A_1031 = vector.shape_cast %swap3A_1030 : vector<1x16xf32> to vector<16xf32>
      %swap3A_1032 = vector.shape_cast %broadcast_in_dim3A_1027 : vector<16xf32> to vector<1x16xf32>
      tpu.vector_store %arg12[%swap3A_1028, %swap3A_1029], %swap3A_1032 {strides = array<i32>} : memref<128x128xf32, #tpu.memory_space<vmem>>, vector<1x16xf32>,
      %broadcast_in_dim3A_1033 = arith.constant 0.000000e+00 : f32
      %broadcast_in_dim3A_1034 = vector.broadcast %broadcast_in_dim3A_1033 : f32 to vector<16xf32>
      %swap3A_1035 = arith.index_cast %scan3A_1019 : i32 to index
      %swap3A_1036 = arith.constant 32 : index
      %swap3A_1037 = tpu.vector_load %arg12[%swap3A_1035, %swap3A_1036] {strides = array<i32>} : memref<128x128xf32, #tpu.memory_space<vmem>>, vector<1x16xf32>,
      %swap3A_1038 = vector.shape_cast %swap3A_1037 : vector<1x16xf32> to vector<16xf32>
      %swap3A_1039 = vector.shape_cast %broadcast_in_dim3A_1034 : vector<16xf32> to vector<1x16xf32>
      tpu.vector_store %arg12[%swap3A_1035, %swap3A_1036], %swap3A_1039 {strides = array<i32>} : memref<128x128xf32, #tpu.memory_space<vmem>>, vector<1x16xf32>,
      %broadcast_in_dim3A_1040 = arith.constant 0.000000e+00 : f32
      %broadcast_in_dim3A_1041 = vector.broadcast %broadcast_in_dim3A_1040 : f32 to vector<16xf32>
      %swap3A_1042 = arith.index_cast %scan3A_1019 : i32 to index
      %swap3A_1043 = arith.constant 48 : index
      %swap3A_1044 = tpu.vector_load %arg12[%swap3A_1042, %swap3A_1043] {strides = array<i32>} : memref<128x128xf32, #tpu.memory_space<vmem>>, vector<1x16xf32>,
      %swap3A_1045 = vector.shape_cast %swap3A_1044 : vector<1x16xf32> to vector<16xf32>
      %swap3A_1046 = vector.shape_cast %broadcast_in_dim3A_1041 : vector<16xf32> to vector<1x16xf32>
      tpu.vector_store %arg12[%swap3A_1042, %swap3A_1043], %swap3A_1046 {strides = array<i32>} : memref<128x128xf32, #tpu.memory_space<vmem>>, vector<1x16xf32>,
      %broadcast_in_dim3A_1047 = arith.constant 0.000000e+00 : f32
      %broadcast_in_dim3A_1048 = vector.broadcast %broadcast_in_dim3A_1047 : f32 to vector<16xf32>
      %swap3A_1049 = arith.index_cast %scan3A_1019 : i32 to index
      %swap3A_1050 = arith.constant 64 : index
      %swap3A_1051 = tpu.vector_load %arg12[%swap3A_1049, %swap3A_1050] {strides = array<i32>} : memref<128x128xf32, #tpu.memory_space<vmem>>, vector<1x16xf32>,
      %swap3A_1052 = vector.shape_cast %swap3A_1051 : vector<1x16xf32> to vector<16xf32>
      %swap3A_1053 = vector.shape_cast %broadcast_in_dim3A_1048 : vector<16xf32> to vector<1x16xf32>
      tpu.vector_store %arg12[%swap3A_1049, %swap3A_1050], %swap3A_1053 {strides = array<i32>} : memref<128x128xf32, #tpu.memory_space<vmem>>, vector<1x16xf32>,
      %broadcast_in_dim3A_1054 = arith.constant 0.000000e+00 : f32
      %broadcast_in_dim3A_1055 = vector.broadcast %broadcast_in_dim3A_1054 : f32 to vector<16xf32>
      %swap3A_1056 = arith.index_cast %scan3A_1019 : i32 to index
      %swap3A_1057 = arith.constant 80 : index
      %swap3A_1058 = tpu.vector_load %arg12[%swap3A_1056, %swap3A_1057] {strides = array<i32>} : memref<128x128xf32, #tpu.memory_space<vmem>>, vector<1x16xf32>,
      %swap3A_1059 = vector.shape_cast %swap3A_1058 : vector<1x16xf32> to vector<16xf32>
      %swap3A_1060 = vector.shape_cast %broadcast_in_dim3A_1055 : vector<16xf32> to vector<1x16xf32>
      tpu.vector_store %arg12[%swap3A_1056, %swap3A_1057], %swap3A_1060 {strides = array<i32>} : memref<128x128xf32, #tpu.memory_space<vmem>>, vector<1x16xf32>,
      %broadcast_in_dim3A_1061 = arith.constant 0.000000e+00 : f32
      %broadcast_in_dim3A_1062 = vector.broadcast %broadcast_in_dim3A_1061 : f32 to vector<16xf32>
      %swap3A_1063 = arith.index_cast %scan3A_1019 : i32 to index
      %swap3A_1064 = arith.constant 96 : index
      %swap3A_1065 = tpu.vector_load %arg12[%swap3A_1063, %swap3A_1064] {strides = array<i32>} : memref<128x128xf32, #tpu.memory_space<vmem>>, vector<1x16xf32>,
      %swap3A_1066 = vector.shape_cast %swap3A_1065 : vector<1x16xf32> to vector<16xf32>
      %swap3A_1067 = vector.shape_cast %broadcast_in_dim3A_1062 : vector<16xf32> to vector<1x16xf32>
      tpu.vector_store %arg12[%swap3A_1063, %swap3A_1064], %swap3A_1067 {strides = array<i32>} : memref<128x128xf32, #tpu.memory_space<vmem>>, vector<1x16xf32>,
      %broadcast_in_dim3A_1068 = arith.constant 0.000000e+00 : f32
      %broadcast_in_dim3A_1069 = vector.broadcast %broadcast_in_dim3A_1068 : f32 to vector<16xf32>
      %swap3A_1070 = arith.index_cast %scan3A_1019 : i32 to index
      %swap3A_1071 = arith.constant 112 : index
      %swap3A_1072 = tpu.vector_load %arg12[%swap3A_1070, %swap3A_1071] {strides = array<i32>} : memref<128x128xf32, #tpu.memory_space<vmem>>, vector<1x16xf32>,
      %swap3A_1073 = vector.shape_cast %swap3A_1072 : vector<1x16xf32> to vector<16xf32>
      %swap3A_1074 = vector.shape_cast %broadcast_in_dim3A_1069 : vector<16xf32> to vector<1x16xf32>
      tpu.vector_store %arg12[%swap3A_1070, %swap3A_1071], %swap3A_1074 {strides = array<i32>} : memref<128x128xf32, #tpu.memory_space<vmem>>, vector<1x16xf32>,
    }
    %scan3A_20 = arith.constant 128 : i32
    %dma_wait3A = arith.constant 0 : i32
    %dma_wait3A_21 = arith.constant 0 : i32
    %dma_wait3A_22 = tpu.memref_slice %arg2[%add3A, %dma_wait3A, %dma_wait3A_21] : memref<32x8x128xi32, #tpu.memory_space<hbm>> -> memref<1x8x128xi32, #tpu.memory_space<hbm>>
    %dma_wait3A_23 = tpu.memref_squeeze %dma_wait3A_22 : memref<1x8x128xi32, #tpu.memory_space<hbm>> -> memref<8x128xi32, #tpu.memory_space<hbm>>
    %dma_wait3A_24 = arith.constant 0 : i32
    %dma_wait3A_25 = arith.constant 0 : i32
    %dma_wait3A_26 = tpu.memref_slice %arg2[%add3A, %dma_wait3A_24, %dma_wait3A_25] : memref<32x8x128xi32, #tpu.memory_space<hbm>> -> memref<1x8x128xi32, #tpu.memory_space<hbm>>
    %dma_wait3A_27 = tpu.memref_squeeze %dma_wait3A_26 : memref<1x8x128xi32, #tpu.memory_space<hbm>> -> memref<8x128xi32, #tpu.memory_space<hbm>>
    tpu.wait_dma2 semaphore(%arg14 : memref<!tpu.dma_semaphore, #tpu.memory_space<semaphore_mem>>) src(%dma_wait3A_27 : memref<8x128xi32, #tpu.memory_space<hbm>>) dst(%arg6 : memref<8x128xi32, #tpu.memory_space<vmem>>)
    %dma_start3A_28 = arith.constant 0 : i32
    %dma_start3A_29 = arith.constant 0 : i32
    %dma_start3A_30 = tpu.memref_slice %arg6[%dma_start3A_28, %dma_start3A_29] : memref<8x128xi32, #tpu.memory_space<vmem>> -> memref<1x128xi32, #tpu.memory_space<vmem>>
    %dma_start3A_31 = tpu.memref_squeeze %dma_start3A_30 : memref<1x128xi32, #tpu.memory_space<vmem>> -> memref<128xi32, #tpu.memory_space<vmem>>
    %dma_start3A_32 = arith.constant 0 : i32
    %dma_start3A_33 = arith.constant 0 : i32
    %dma_start3A_34 = tpu.memref_slice %arg4[%dma_start3A_32, %dma_start3A_33] : memref<384x128xf32, #tpu.memory_space<hbm>> -> memref<384x128xf32, #tpu.memory_space<hbm>>
    tpu.enqueue_indirect_dma source(%dma_start3A_34 : memref<384x128xf32, #tpu.memory_space<hbm>>) target(%arg8 : memref<128x128xf32, #tpu.memory_space<vmem>>) offsets(%dma_start3A_31 : memref<128xi32, #tpu.memory_space<vmem>>) semaphore(%arg14 : memref<!tpu.dma_semaphore, #tpu.memory_space<semaphore_mem>>)
    %dma_start3A_35 = arith.constant 1 : i32
    %dma_start3A_36 = arith.constant 0 : i32
    %dma_start3A_37 = tpu.memref_slice %arg6[%dma_start3A_35, %dma_start3A_36] : memref<8x128xi32, #tpu.memory_space<vmem>> -> memref<1x128xi32, #tpu.memory_space<vmem>>
    %dma_start3A_38 = tpu.memref_squeeze %dma_start3A_37 : memref<1x128xi32, #tpu.memory_space<vmem>> -> memref<128xi32, #tpu.memory_space<vmem>>
    %dma_start3A_39 = arith.constant 0 : i32
    %dma_start3A_40 = arith.constant 0 : i32
    %dma_start3A_41 = tpu.memref_slice %arg4[%dma_start3A_39, %dma_start3A_40] : memref<384x128xf32, #tpu.memory_space<hbm>> -> memref<384x128xf32, #tpu.memory_space<hbm>>
    tpu.enqueue_indirect_dma source(%dma_start3A_41 : memref<384x128xf32, #tpu.memory_space<hbm>>) target(%arg9 : memref<128x128xf32, #tpu.memory_space<vmem>>) offsets(%dma_start3A_38 : memref<128xi32, #tpu.memory_space<vmem>>) semaphore(%arg15 : memref<!tpu.dma_semaphore, #tpu.memory_space<semaphore_mem>>)
    %dma_start3A_42 = arith.constant 2 : i32
    %dma_start3A_43 = arith.constant 0 : i32
    %dma_start3A_44 = tpu.memref_slice %arg6[%dma_start3A_42, %dma_start3A_43] : memref<8x128xi32, #tpu.memory_space<vmem>> -> memref<1x128xi32, #tpu.memory_space<vmem>>
    %dma_start3A_45 = tpu.memref_squeeze %dma_start3A_44 : memref<1x128xi32, #tpu.memory_space<vmem>> -> memref<128xi32, #tpu.memory_space<vmem>>
    %dma_start3A_46 = arith.constant 0 : i32
    %dma_start3A_47 = arith.constant 0 : i32
    %dma_start3A_48 = tpu.memref_slice %arg4[%dma_start3A_46, %dma_start3A_47] : memref<384x128xf32, #tpu.memory_space<hbm>> -> memref<384x128xf32, #tpu.memory_space<hbm>>
    tpu.enqueue_indirect_dma source(%dma_start3A_48 : memref<384x128xf32, #tpu.memory_space<hbm>>) target(%arg10 : memref<128x128xf32, #tpu.memory_space<vmem>>) offsets(%dma_start3A_45 : memref<128xi32, #tpu.memory_space<vmem>>) semaphore(%arg16 : memref<!tpu.dma_semaphore, #tpu.memory_space<semaphore_mem>>)
    %dma_start3A_49 = arith.constant 3 : i32
    %dma_start3A_50 = arith.constant 0 : i32
    %dma_start3A_51 = tpu.memref_slice %arg6[%dma_start3A_49, %dma_start3A_50] : memref<8x128xi32, #tpu.memory_space<vmem>> -> memref<1x128xi32, #tpu.memory_space<vmem>>
    %dma_start3A_52 = tpu.memref_squeeze %dma_start3A_51 : memref<1x128xi32, #tpu.memory_space<vmem>> -> memref<128xi32, #tpu.memory_space<vmem>>
    %dma_start3A_53 = arith.constant 0 : i32
    %dma_start3A_54 = arith.constant 0 : i32
    %dma_start3A_55 = tpu.memref_slice %arg4[%dma_start3A_53, %dma_start3A_54] : memref<384x128xf32, #tpu.memory_space<hbm>> -> memref<384x128xf32, #tpu.memory_space<hbm>>
    tpu.enqueue_indirect_dma source(%dma_start3A_55 : memref<384x128xf32, #tpu.memory_space<hbm>>) target(%arg11 : memref<128x128xf32, #tpu.memory_space<vmem>>) offsets(%dma_start3A_52 : memref<128xi32, #tpu.memory_space<vmem>>) semaphore(%arg17 : memref<!tpu.dma_semaphore, #tpu.memory_space<semaphore_mem>>)
    %dma_wait3A_56 = arith.constant 0 : i32
    %dma_wait3A_57 = arith.constant 0 : i32
    %dma_wait3A_58 = tpu.memref_slice %arg3[%add3A, %dma_wait3A_56, %dma_wait3A_57] : memref<32x8x128xi32, #tpu.memory_space<hbm>> -> memref<1x8x128xi32, #tpu.memory_space<hbm>>
    %dma_wait3A_59 = tpu.memref_squeeze %dma_wait3A_58 : memref<1x8x128xi32, #tpu.memory_space<hbm>> -> memref<8x128xi32, #tpu.memory_space<hbm>>
    %dma_wait3A_60 = arith.constant 0 : i32
    %dma_wait3A_61 = arith.constant 0 : i32
    %dma_wait3A_62 = tpu.memref_slice %arg3[%add3A, %dma_wait3A_60, %dma_wait3A_61] : memref<32x8x128xi32, #tpu.memory_space<hbm>> -> memref<1x8x128xi32, #tpu.memory_space<hbm>>
    %dma_wait3A_63 = tpu.memref_squeeze %dma_wait3A_62 : memref<1x8x128xi32, #tpu.memory_space<hbm>> -> memref<8x128xi32, #tpu.memory_space<hbm>>
    tpu.wait_dma2 semaphore(%arg18 : memref<!tpu.dma_semaphore, #tpu.memory_space<semaphore_mem>>) src(%dma_wait3A_63 : memref<8x128xi32, #tpu.memory_space<hbm>>) dst(%arg7 : memref<8x128xi32, #tpu.memory_space<vmem>>)
    %jit3A = arith.constant 8 : i32
    %div3A = arith.divsi %arg1, %jit3A : i32
    %sign3A = arith.constant 0 : i32
    %sign3A_64 = arith.cmpi sgt, %arg1, %sign3A : i32
    %sign3A_65 = arith.extui %sign3A_64 : i1 to i32
    %sign3A_66 = arith.constant 0 : i32
    %sign3A_67 = arith.cmpi slt, %arg1, %sign3A_66 : i32
    %sign3A_68 = arith.extui %sign3A_67 : i1 to i32
    %sign3A_69 = arith.subi %sign3A_65, %sign3A_68 : i32
    %sign3A_70 = arith.constant 0 : i32
    %sign3A_71 = arith.cmpi sgt, %jit3A, %sign3A_70 : i32
    %sign3A_72 = arith.extui %sign3A_71 : i1 to i32
    %sign3A_73 = arith.constant 0 : i32
    %sign3A_74 = arith.cmpi slt, %jit3A, %sign3A_73 : i32
    %sign3A_75 = arith.extui %sign3A_74 : i1 to i32
    %sign3A_76 = arith.subi %sign3A_72, %sign3A_75 : i32
    %ne3A = arith.cmpi ne, %sign3A_69, %sign3A_76 : i32
    %rem3A = arith.remsi %arg1, %jit3A : i32
    %ne3A_77 = arith.constant 0 : i32
    %ne3A_78 = arith.cmpi ne, %rem3A, %ne3A_77 : i32
    %and3A = arith.andi %ne3A, %ne3A_78 : i1
    %sub3A = arith.constant 1 : i32
    %sub3A_79 = arith.subi %div3A, %sub3A : i32
    %select_n3A = arith.select %and3A, %sub3A_79, %div3A : i32
    %mul3A_80 = arith.constant 2048 : i32
    %mul3A_81 = arith.muli %select_n3A, %mul3A_80 : i32
    %get3A = arith.constant 0 : i32
    %get3A_82 = arith.index_cast %get3A : i32 to index
    %get3A_83 = arith.constant 0 : index
    %get3A_84 = tpu.vector_load %arg7[%get3A_82, %get3A_83] {strides = array<i32>} : memref<8x128xi32, #tpu.memory_space<vmem>>, vector<1x16xi32>,
    %get3A_85 = vector.shape_cast %get3A_84 : vector<1x16xi32> to vector<16xi32>
    %add3A_86 = vector.broadcast %mul3A_81 : i32 to vector<16xi32>
    %add3A_87 = arith.addi %get3A_85, %add3A_86 : vector<16xi32>
    %swap3A = arith.constant 0 : i32
    %swap3A_88 = arith.index_cast %swap3A : i32 to index
    %swap3A_89 = arith.constant 0 : index
    %swap3A_90 = tpu.vector_load %arg7[%swap3A_88, %swap3A_89] {strides = array<i32>} : memref<8x128xi32, #tpu.memory_space<vmem>>, vector<1x16xi32>,
    %swap3A_91 = vector.shape_cast %swap3A_90 : vector<1x16xi32> to vector<16xi32>
    %swap3A_92 = vector.shape_cast %add3A_87 : vector<16xi32> to vector<1x16xi32>
    tpu.vector_store %arg7[%swap3A_88, %swap3A_89], %swap3A_92 {strides = array<i32>} : memref<8x128xi32, #tpu.memory_space<vmem>>, vector<1x16xi32>,
    %get3A_93 = arith.constant 0 : i32
    %get3A_94 = arith.index_cast %get3A_93 : i32 to index
    %get3A_95 = arith.constant 16 : index
    %get3A_96 = tpu.vector_load %arg7[%get3A_94, %get3A_95] {strides = array<i32>} : memref<8x128xi32, #tpu.memory_space<vmem>>, vector<1x16xi32>,
    %get3A_97 = vector.shape_cast %get3A_96 : vector<1x16xi32> to vector<16xi32>
    %add3A_98 = vector.broadcast %mul3A_81 : i32 to vector<16xi32>
    %add3A_99 = arith.addi %get3A_97, %add3A_98 : vector<16xi32>
    %swap3A_100 = arith.constant 0 : i32
    %swap3A_101 = arith.index_cast %swap3A_100 : i32 to index
    %swap3A_102 = arith.constant 16 : index
    %swap3A_103 = tpu.vector_load %arg7[%swap3A_101, %swap3A_102] {strides = array<i32>} : memref<8x128xi32, #tpu.memory_space<vmem>>, vector<1x16xi32>,
    %swap3A_104 = vector.shape_cast %swap3A_103 : vector<1x16xi32> to vector<16xi32>
    %swap3A_105 = vector.shape_cast %add3A_99 : vector<16xi32> to vector<1x16xi32>
    tpu.vector_store %arg7[%swap3A_101, %swap3A_102], %swap3A_105 {strides = array<i32>} : memref<8x128xi32, #tpu.memory_space<vmem>>, vector<1x16xi32>,
    %get3A_106 = arith.constant 0 : i32
    %get3A_107 = arith.index_cast %get3A_106 : i32 to index
    %get3A_108 = arith.constant 32 : index
    %get3A_109 = tpu.vector_load %arg7[%get3A_107, %get3A_108] {strides = array<i32>} : memref<8x128xi32, #tpu.memory_space<vmem>>, vector<1x16xi32>,
    %get3A_110 = vector.shape_cast %get3A_109 : vector<1x16xi32> to vector<16xi32>
    %add3A_111 = vector.broadcast %mul3A_81 : i32 to vector<16xi32>
    %add3A_112 = arith.addi %get3A_110, %add3A_111 : vector<16xi32>
    %swap3A_113 = arith.constant 0 : i32
    %swap3A_114 = arith.index_cast %swap3A_113 : i32 to index
    %swap3A_115 = arith.constant 32 : index
    %swap3A_116 = tpu.vector_load %arg7[%swap3A_114, %swap3A_115] {strides = array<i32>} : memref<8x128xi32, #tpu.memory_space<vmem>>, vector<1x16xi32>,
    %swap3A_117 = vector.shape_cast %swap3A_116 : vector<1x16xi32> to vector<16xi32>
    %swap3A_118 = vector.shape_cast %add3A_112 : vector<16xi32> to vector<1x16xi32>
    tpu.vector_store %arg7[%swap3A_114, %swap3A_115], %swap3A_118 {strides = array<i32>} : memref<8x128xi32, #tpu.memory_space<vmem>>, vector<1x16xi32>,
    %get3A_119 = arith.constant 0 : i32
    %get3A_120 = arith.index_cast %get3A_119 : i32 to index
    %get3A_121 = arith.constant 48 : index
    %get3A_122 = tpu.vector_load %arg7[%get3A_120, %get3A_121] {strides = array<i32>} : memref<8x128xi32, #tpu.memory_space<vmem>>, vector<1x16xi32>,
    %get3A_123 = vector.shape_cast %get3A_122 : vector<1x16xi32> to vector<16xi32>
    %add3A_124 = vector.broadcast %mul3A_81 : i32 to vector<16xi32>
    %add3A_125 = arith.addi %get3A_123, %add3A_124 : vector<16xi32>
    %swap3A_126 = arith.constant 0 : i32
    %swap3A_127 = arith.index_cast %swap3A_126 : i32 to index
    %swap3A_128 = arith.constant 48 : index
    %swap3A_129 = tpu.vector_load %arg7[%swap3A_127, %swap3A_128] {strides = array<i32>} : memref<8x128xi32, #tpu.memory_space<vmem>>, vector<1x16xi32>,
    %swap3A_130 = vector.shape_cast %swap3A_129 : vector<1x16xi32> to vector<16xi32>
    %swap3A_131 = vector.shape_cast %add3A_125 : vector<16xi32> to vector<1x16xi32>
    tpu.vector_store %arg7[%swap3A_127, %swap3A_128], %swap3A_131 {strides = array<i32>} : memref<8x128xi32, #tpu.memory_space<vmem>>, vector<1x16xi32>,
    %get3A_132 = arith.constant 0 : i32
    %get3A_133 = arith.index_cast %get3A_132 : i32 to index
    %get3A_134 = arith.constant 64 : index
    %get3A_135 = tpu.vector_load %arg7[%get3A_133, %get3A_134] {strides = array<i32>} : memref<8x128xi32, #tpu.memory_space<vmem>>, vector<1x16xi32>,
    %get3A_136 = vector.shape_cast %get3A_135 : vector<1x16xi32> to vector<16xi32>
    %add3A_137 = vector.broadcast %mul3A_81 : i32 to vector<16xi32>
    %add3A_138 = arith.addi %get3A_136, %add3A_137 : vector<16xi32>
    %swap3A_139 = arith.constant 0 : i32
    %swap3A_140 = arith.index_cast %swap3A_139 : i32 to index
    %swap3A_141 = arith.constant 64 : index
    %swap3A_142 = tpu.vector_load %arg7[%swap3A_140, %swap3A_141] {strides = array<i32>} : memref<8x128xi32, #tpu.memory_space<vmem>>, vector<1x16xi32>,
    %swap3A_143 = vector.shape_cast %swap3A_142 : vector<1x16xi32> to vector<16xi32>
    %swap3A_144 = vector.shape_cast %add3A_138 : vector<16xi32> to vector<1x16xi32>
    tpu.vector_store %arg7[%swap3A_140, %swap3A_141], %swap3A_144 {strides = array<i32>} : memref<8x128xi32, #tpu.memory_space<vmem>>, vector<1x16xi32>,
    %get3A_145 = arith.constant 0 : i32
    %get3A_146 = arith.index_cast %get3A_145 : i32 to index
    %get3A_147 = arith.constant 80 : index
    %get3A_148 = tpu.vector_load %arg7[%get3A_146, %get3A_147] {strides = array<i32>} : memref<8x128xi32, #tpu.memory_space<vmem>>, vector<1x16xi32>,
    %get3A_149 = vector.shape_cast %get3A_148 : vector<1x16xi32> to vector<16xi32>
    %add3A_150 = vector.broadcast %mul3A_81 : i32 to vector<16xi32>
    %add3A_151 = arith.addi %get3A_149, %add3A_150 : vector<16xi32>
    %swap3A_152 = arith.constant 0 : i32
    %swap3A_153 = arith.index_cast %swap3A_152 : i32 to index
    %swap3A_154 = arith.constant 80 : index
    %swap3A_155 = tpu.vector_load %arg7[%swap3A_153, %swap3A_154] {strides = array<i32>} : memref<8x128xi32, #tpu.memory_space<vmem>>, vector<1x16xi32>,
    %swap3A_156 = vector.shape_cast %swap3A_155 : vector<1x16xi32> to vector<16xi32>
    %swap3A_157 = vector.shape_cast %add3A_151 : vector<16xi32> to vector<1x16xi32>
    tpu.vector_store %arg7[%swap3A_153, %swap3A_154], %swap3A_157 {strides = array<i32>} : memref<8x128xi32, #tpu.memory_space<vmem>>, vector<1x16xi32>,
    %get3A_158 = arith.constant 0 : i32
    %get3A_159 = arith.index_cast %get3A_158 : i32 to index
    %get3A_160 = arith.constant 96 : index
    %get3A_161 = tpu.vector_load %arg7[%get3A_159, %get3A_160] {strides = array<i32>} : memref<8x128xi32, #tpu.memory_space<vmem>>, vector<1x16xi32>,
    %get3A_162 = vector.shape_cast %get3A_161 : vector<1x16xi32> to vector<16xi32>
    %add3A_163 = vector.broadcast %mul3A_81 : i32 to vector<16xi32>
    %add3A_164 = arith.addi %get3A_162, %add3A_163 : vector<16xi32>
    %swap3A_165 = arith.constant 0 : i32
    %swap3A_166 = arith.index_cast %swap3A_165 : i32 to index
    %swap3A_167 = arith.constant 96 : index
    %swap3A_168 = tpu.vector_load %arg7[%swap3A_166, %swap3A_167] {strides = array<i32>} : memref<8x128xi32, #tpu.memory_space<vmem>>, vector<1x16xi32>,
    %swap3A_169 = vector.shape_cast %swap3A_168 : vector<1x16xi32> to vector<16xi32>
    %swap3A_170 = vector.shape_cast %add3A_164 : vector<16xi32> to vector<1x16xi32>
    tpu.vector_store %arg7[%swap3A_166, %swap3A_167], %swap3A_170 {strides = array<i32>} : memref<8x128xi32, #tpu.memory_space<vmem>>, vector<1x16xi32>,
    %get3A_171 = arith.constant 0 : i32
    %get3A_172 = arith.index_cast %get3A_171 : i32 to index
    %get3A_173 = arith.constant 112 : index
    %get3A_174 = tpu.vector_load %arg7[%get3A_172, %get3A_173] {strides = array<i32>} : memref<8x128xi32, #tpu.memory_space<vmem>>, vector<1x16xi32>,
    %get3A_175 = vector.shape_cast %get3A_174 : vector<1x16xi32> to vector<16xi32>
    %add3A_176 = vector.broadcast %mul3A_81 : i32 to vector<16xi32>
    %add3A_177 = arith.addi %get3A_175, %add3A_176 : vector<16xi32>
    %swap3A_178 = arith.constant 0 : i32
    %swap3A_179 = arith.index_cast %swap3A_178 : i32 to index
    %swap3A_180 = arith.constant 112 : index
    %swap3A_181 = tpu.vector_load %arg7[%swap3A_179, %swap3A_180] {strides = array<i32>} : memref<8x128xi32, #tpu.memory_space<vmem>>, vector<1x16xi32>,
    %swap3A_182 = vector.shape_cast %swap3A_181 : vector<1x16xi32> to vector<16xi32>
    %swap3A_183 = vector.shape_cast %add3A_177 : vector<16xi32> to vector<1x16xi32>
    tpu.vector_store %arg7[%swap3A_179, %swap3A_180], %swap3A_183 {strides = array<i32>} : memref<8x128xi32, #tpu.memory_space<vmem>>, vector<1x16xi32>,
    %get3A_184 = arith.constant 1 : i32
    %get3A_185 = arith.index_cast %get3A_184 : i32 to index
    %get3A_186 = arith.constant 0 : index
    %get3A_187 = tpu.vector_load %arg7[%get3A_185, %get3A_186] {strides = array<i32>} : memref<8x128xi32, #tpu.memory_space<vmem>>, vector<1x16xi32>,
    %get3A_188 = vector.shape_cast %get3A_187 : vector<1x16xi32> to vector<16xi32>
    %add3A_189 = vector.broadcast %mul3A_81 : i32 to vector<16xi32>
    %add3A_190 = arith.addi %get3A_188, %add3A_189 : vector<16xi32>
    %swap3A_191 = arith.constant 1 : i32
    %swap3A_192 = arith.index_cast %swap3A_191 : i32 to index
    %swap3A_193 = arith.constant 0 : index
    %swap3A_194 = tpu.vector_load %arg7[%swap3A_192, %swap3A_193] {strides = array<i32>} : memref<8x128xi32, #tpu.memory_space<vmem>>, vector<1x16xi32>,
    %swap3A_195 = vector.shape_cast %swap3A_194 : vector<1x16xi32> to vector<16xi32>
    %swap3A_196 = vector.shape_cast %add3A_190 : vector<16xi32> to vector<1x16xi32>
    tpu.vector_store %arg7[%swap3A_192, %swap3A_193], %swap3A_196 {strides = array<i32>} : memref<8x128xi32, #tpu.memory_space<vmem>>, vector<1x16xi32>,
    %get3A_197 = arith.constant 1 : i32
    %get3A_198 = arith.index_cast %get3A_197 : i32 to index
    %get3A_199 = arith.constant 16 : index
    %get3A_200 = tpu.vector_load %arg7[%get3A_198, %get3A_199] {strides = array<i32>} : memref<8x128xi32, #tpu.memory_space<vmem>>, vector<1x16xi32>,
    %get3A_201 = vector.shape_cast %get3A_200 : vector<1x16xi32> to vector<16xi32>
    %add3A_202 = vector.broadcast %mul3A_81 : i32 to vector<16xi32>
    %add3A_203 = arith.addi %get3A_201, %add3A_202 : vector<16xi32>
    %swap3A_204 = arith.constant 1 : i32
    %swap3A_205 = arith.index_cast %swap3A_204 : i32 to index
    %swap3A_206 = arith.constant 16 : index
    %swap3A_207 = tpu.vector_load %arg7[%swap3A_205, %swap3A_206] {strides = array<i32>} : memref<8x128xi32, #tpu.memory_space<vmem>>, vector<1x16xi32>,
    %swap3A_208 = vector.shape_cast %swap3A_207 : vector<1x16xi32> to vector<16xi32>
    %swap3A_209 = vector.shape_cast %add3A_203 : vector<16xi32> to vector<1x16xi32>
    tpu.vector_store %arg7[%swap3A_205, %swap3A_206], %swap3A_209 {strides = array<i32>} : memref<8x128xi32, #tpu.memory_space<vmem>>, vector<1x16xi32>,
    %get3A_210 = arith.constant 1 : i32
    %get3A_211 = arith.index_cast %get3A_210 : i32 to index
    %get3A_212 = arith.constant 32 : index
    %get3A_213 = tpu.vector_load %arg7[%get3A_211, %get3A_212] {strides = array<i32>} : memref<8x128xi32, #tpu.memory_space<vmem>>, vector<1x16xi32>,
    %get3A_214 = vector.shape_cast %get3A_213 : vector<1x16xi32> to vector<16xi32>
    %add3A_215 = vector.broadcast %mul3A_81 : i32 to vector<16xi32>
    %add3A_216 = arith.addi %get3A_214, %add3A_215 : vector<16xi32>
    %swap3A_217 = arith.constant 1 : i32
    %swap3A_218 = arith.index_cast %swap3A_217 : i32 to index
    %swap3A_219 = arith.constant 32 : index
    %swap3A_220 = tpu.vector_load %arg7[%swap3A_218, %swap3A_219] {strides = array<i32>} : memref<8x128xi32, #tpu.memory_space<vmem>>, vector<1x16xi32>,
    %swap3A_221 = vector.shape_cast %swap3A_220 : vector<1x16xi32> to vector<16xi32>
    %swap3A_222 = vector.shape_cast %add3A_216 : vector<16xi32> to vector<1x16xi32>
    tpu.vector_store %arg7[%swap3A_218, %swap3A_219], %swap3A_222 {strides = array<i32>} : memref<8x128xi32, #tpu.memory_space<vmem>>, vector<1x16xi32>,
    %get3A_223 = arith.constant 1 : i32
    %get3A_224 = arith.index_cast %get3A_223 : i32 to index
    %get3A_225 = arith.constant 48 : index
    %get3A_226 = tpu.vector_load %arg7[%get3A_224, %get3A_225] {strides = array<i32>} : memref<8x128xi32, #tpu.memory_space<vmem>>, vector<1x16xi32>,
    %get3A_227 = vector.shape_cast %get3A_226 : vector<1x16xi32> to vector<16xi32>
    %add3A_228 = vector.broadcast %mul3A_81 : i32 to vector<16xi32>
    %add3A_229 = arith.addi %get3A_227, %add3A_228 : vector<16xi32>
    %swap3A_230 = arith.constant 1 : i32
    %swap3A_231 = arith.index_cast %swap3A_230 : i32 to index
    %swap3A_232 = arith.constant 48 : index
    %swap3A_233 = tpu.vector_load %arg7[%swap3A_231, %swap3A_232] {strides = array<i32>} : memref<8x128xi32, #tpu.memory_space<vmem>>, vector<1x16xi32>,
    %swap3A_234 = vector.shape_cast %swap3A_233 : vector<1x16xi32> to vector<16xi32>
    %swap3A_235 = vector.shape_cast %add3A_229 : vector<16xi32> to vector<1x16xi32>
    tpu.vector_store %arg7[%swap3A_231, %swap3A_232], %swap3A_235 {strides = array<i32>} : memref<8x128xi32, #tpu.memory_space<vmem>>, vector<1x16xi32>,
    %get3A_236 = arith.constant 1 : i32
    %get3A_237 = arith.index_cast %get3A_236 : i32 to index
    %get3A_238 = arith.constant 64 : index
    %get3A_239 = tpu.vector_load %arg7[%get3A_237, %get3A_238] {strides = array<i32>} : memref<8x128xi32, #tpu.memory_space<vmem>>, vector<1x16xi32>,
    %get3A_240 = vector.shape_cast %get3A_239 : vector<1x16xi32> to vector<16xi32>
    %add3A_241 = vector.broadcast %mul3A_81 : i32 to vector<16xi32>
    %add3A_242 = arith.addi %get3A_240, %add3A_241 : vector<16xi32>
    %swap3A_243 = arith.constant 1 : i32
    %swap3A_244 = arith.index_cast %swap3A_243 : i32 to index
    %swap3A_245 = arith.constant 64 : index
    %swap3A_246 = tpu.vector_load %arg7[%swap3A_244, %swap3A_245] {strides = array<i32>} : memref<8x128xi32, #tpu.memory_space<vmem>>, vector<1x16xi32>,
    %swap3A_247 = vector.shape_cast %swap3A_246 : vector<1x16xi32> to vector<16xi32>
    %swap3A_248 = vector.shape_cast %add3A_242 : vector<16xi32> to vector<1x16xi32>
    tpu.vector_store %arg7[%swap3A_244, %swap3A_245], %swap3A_248 {strides = array<i32>} : memref<8x128xi32, #tpu.memory_space<vmem>>, vector<1x16xi32>,
    %get3A_249 = arith.constant 1 : i32
    %get3A_250 = arith.index_cast %get3A_249 : i32 to index
    %get3A_251 = arith.constant 80 : index
    %get3A_252 = tpu.vector_load %arg7[%get3A_250, %get3A_251] {strides = array<i32>} : memref<8x128xi32, #tpu.memory_space<vmem>>, vector<1x16xi32>,
    %get3A_253 = vector.shape_cast %get3A_252 : vector<1x16xi32> to vector<16xi32>
    %add3A_254 = vector.broadcast %mul3A_81 : i32 to vector<16xi32>
    %add3A_255 = arith.addi %get3A_253, %add3A_254 : vector<16xi32>
    %swap3A_256 = arith.constant 1 : i32
    %swap3A_257 = arith.index_cast %swap3A_256 : i32 to index
    %swap3A_258 = arith.constant 80 : index
    %swap3A_259 = tpu.vector_load %arg7[%swap3A_257, %swap3A_258] {strides = array<i32>} : memref<8x128xi32, #tpu.memory_space<vmem>>, vector<1x16xi32>,
    %swap3A_260 = vector.shape_cast %swap3A_259 : vector<1x16xi32> to vector<16xi32>
    %swap3A_261 = vector.shape_cast %add3A_255 : vector<16xi32> to vector<1x16xi32>
    tpu.vector_store %arg7[%swap3A_257, %swap3A_258], %swap3A_261 {strides = array<i32>} : memref<8x128xi32, #tpu.memory_space<vmem>>, vector<1x16xi32>,
    %get3A_262 = arith.constant 1 : i32
    %get3A_263 = arith.index_cast %get3A_262 : i32 to index
    %get3A_264 = arith.constant 96 : index
    %get3A_265 = tpu.vector_load %arg7[%get3A_263, %get3A_264] {strides = array<i32>} : memref<8x128xi32, #tpu.memory_space<vmem>>, vector<1x16xi32>,
    %get3A_266 = vector.shape_cast %get3A_265 : vector<1x16xi32> to vector<16xi32>
    %add3A_267 = vector.broadcast %mul3A_81 : i32 to vector<16xi32>
    %add3A_268 = arith.addi %get3A_266, %add3A_267 : vector<16xi32>
    %swap3A_269 = arith.constant 1 : i32
    %swap3A_270 = arith.index_cast %swap3A_269 : i32 to index
    %swap3A_271 = arith.constant 96 : index
    %swap3A_272 = tpu.vector_load %arg7[%swap3A_270, %swap3A_271] {strides = array<i32>} : memref<8x128xi32, #tpu.memory_space<vmem>>, vector<1x16xi32>,
    %swap3A_273 = vector.shape_cast %swap3A_272 : vector<1x16xi32> to vector<16xi32>
    %swap3A_274 = vector.shape_cast %add3A_268 : vector<16xi32> to vector<1x16xi32>
    tpu.vector_store %arg7[%swap3A_270, %swap3A_271], %swap3A_274 {strides = array<i32>} : memref<8x128xi32, #tpu.memory_space<vmem>>, vector<1x16xi32>,
    %get3A_275 = arith.constant 1 : i32
    %get3A_276 = arith.index_cast %get3A_275 : i32 to index
    %get3A_277 = arith.constant 112 : index
    %get3A_278 = tpu.vector_load %arg7[%get3A_276, %get3A_277] {strides = array<i32>} : memref<8x128xi32, #tpu.memory_space<vmem>>, vector<1x16xi32>,
    %get3A_279 = vector.shape_cast %get3A_278 : vector<1x16xi32> to vector<16xi32>
    %add3A_280 = vector.broadcast %mul3A_81 : i32 to vector<16xi32>
    %add3A_281 = arith.addi %get3A_279, %add3A_280 : vector<16xi32>
    %swap3A_282 = arith.constant 1 : i32
    %swap3A_283 = arith.index_cast %swap3A_282 : i32 to index
    %swap3A_284 = arith.constant 112 : index
    %swap3A_285 = tpu.vector_load %arg7[%swap3A_283, %swap3A_284] {strides = array<i32>} : memref<8x128xi32, #tpu.memory_space<vmem>>, vector<1x16xi32>,
    %swap3A_286 = vector.shape_cast %swap3A_285 : vector<1x16xi32> to vector<16xi32>
    %swap3A_287 = vector.shape_cast %add3A_281 : vector<16xi32> to vector<1x16xi32>
    tpu.vector_store %arg7[%swap3A_283, %swap3A_284], %swap3A_287 {strides = array<i32>} : memref<8x128xi32, #tpu.memory_space<vmem>>, vector<1x16xi32>,
    %get3A_288 = arith.constant 2 : i32
    %get3A_289 = arith.index_cast %get3A_288 : i32 to index
    %get3A_290 = arith.constant 0 : index
    %get3A_291 = tpu.vector_load %arg7[%get3A_289, %get3A_290] {strides = array<i32>} : memref<8x128xi32, #tpu.memory_space<vmem>>, vector<1x16xi32>,
    %get3A_292 = vector.shape_cast %get3A_291 : vector<1x16xi32> to vector<16xi32>
    %add3A_293 = vector.broadcast %mul3A_81 : i32 to vector<16xi32>
    %add3A_294 = arith.addi %get3A_292, %add3A_293 : vector<16xi32>
    %swap3A_295 = arith.constant 2 : i32
    %swap3A_296 = arith.index_cast %swap3A_295 : i32 to index
    %swap3A_297 = arith.constant 0 : index
    %swap3A_298 = tpu.vector_load %arg7[%swap3A_296, %swap3A_297] {strides = array<i32>} : memref<8x128xi32, #tpu.memory_space<vmem>>, vector<1x16xi32>,
    %swap3A_299 = vector.shape_cast %swap3A_298 : vector<1x16xi32> to vector<16xi32>
    %swap3A_300 = vector.shape_cast %add3A_294 : vector<16xi32> to vector<1x16xi32>
    tpu.vector_store %arg7[%swap3A_296, %swap3A_297], %swap3A_300 {strides = array<i32>} : memref<8x128xi32, #tpu.memory_space<vmem>>, vector<1x16xi32>,
    %get3A_301 = arith.constant 2 : i32
    %get3A_302 = arith.index_cast %get3A_301 : i32 to index
    %get3A_303 = arith.constant 16 : index
    %get3A_304 = tpu.vector_load %arg7[%get3A_302, %get3A_303] {strides = array<i32>} : memref<8x128xi32, #tpu.memory_space<vmem>>, vector<1x16xi32>,
    %get3A_305 = vector.shape_cast %get3A_304 : vector<1x16xi32> to vector<16xi32>
    %add3A_306 = vector.broadcast %mul3A_81 : i32 to vector<16xi32>
    %add3A_307 = arith.addi %get3A_305, %add3A_306 : vector<16xi32>
    %swap3A_308 = arith.constant 2 : i32
    %swap3A_309 = arith.index_cast %swap3A_308 : i32 to index
    %swap3A_310 = arith.constant 16 : index
    %swap3A_311 = tpu.vector_load %arg7[%swap3A_309, %swap3A_310] {strides = array<i32>} : memref<8x128xi32, #tpu.memory_space<vmem>>, vector<1x16xi32>,
    %swap3A_312 = vector.shape_cast %swap3A_311 : vector<1x16xi32> to vector<16xi32>
    %swap3A_313 = vector.shape_cast %add3A_307 : vector<16xi32> to vector<1x16xi32>
    tpu.vector_store %arg7[%swap3A_309, %swap3A_310], %swap3A_313 {strides = array<i32>} : memref<8x128xi32, #tpu.memory_space<vmem>>, vector<1x16xi32>,
    %get3A_314 = arith.constant 2 : i32
    %get3A_315 = arith.index_cast %get3A_314 : i32 to index
    %get3A_316 = arith.constant 32 : index
    %get3A_317 = tpu.vector_load %arg7[%get3A_315, %get3A_316] {strides = array<i32>} : memref<8x128xi32, #tpu.memory_space<vmem>>, vector<1x16xi32>,
    %get3A_318 = vector.shape_cast %get3A_317 : vector<1x16xi32> to vector<16xi32>
    %add3A_319 = vector.broadcast %mul3A_81 : i32 to vector<16xi32>
    %add3A_320 = arith.addi %get3A_318, %add3A_319 : vector<16xi32>
    %swap3A_321 = arith.constant 2 : i32
    %swap3A_322 = arith.index_cast %swap3A_321 : i32 to index
    %swap3A_323 = arith.constant 32 : index
    %swap3A_324 = tpu.vector_load %arg7[%swap3A_322, %swap3A_323] {strides = array<i32>} : memref<8x128xi32, #tpu.memory_space<vmem>>, vector<1x16xi32>,
    %swap3A_325 = vector.shape_cast %swap3A_324 : vector<1x16xi32> to vector<16xi32>
    %swap3A_326 = vector.shape_cast %add3A_320 : vector<16xi32> to vector<1x16xi32>
    tpu.vector_store %arg7[%swap3A_322, %swap3A_323], %swap3A_326 {strides = array<i32>} : memref<8x128xi32, #tpu.memory_space<vmem>>, vector<1x16xi32>,
    %get3A_327 = arith.constant 2 : i32
    %get3A_328 = arith.index_cast %get3A_327 : i32 to index
    %get3A_329 = arith.constant 48 : index
    %get3A_330 = tpu.vector_load %arg7[%get3A_328, %get3A_329] {strides = array<i32>} : memref<8x128xi32, #tpu.memory_space<vmem>>, vector<1x16xi32>,
    %get3A_331 = vector.shape_cast %get3A_330 : vector<1x16xi32> to vector<16xi32>
    %add3A_332 = vector.broadcast %mul3A_81 : i32 to vector<16xi32>
    %add3A_333 = arith.addi %get3A_331, %add3A_332 : vector<16xi32>
    %swap3A_334 = arith.constant 2 : i32
    %swap3A_335 = arith.index_cast %swap3A_334 : i32 to index
    %swap3A_336 = arith.constant 48 : index
    %swap3A_337 = tpu.vector_load %arg7[%swap3A_335, %swap3A_336] {strides = array<i32>} : memref<8x128xi32, #tpu.memory_space<vmem>>, vector<1x16xi32>,
    %swap3A_338 = vector.shape_cast %swap3A_337 : vector<1x16xi32> to vector<16xi32>
    %swap3A_339 = vector.shape_cast %add3A_333 : vector<16xi32> to vector<1x16xi32>
    tpu.vector_store %arg7[%swap3A_335, %swap3A_336], %swap3A_339 {strides = array<i32>} : memref<8x128xi32, #tpu.memory_space<vmem>>, vector<1x16xi32>,
    %get3A_340 = arith.constant 2 : i32
    %get3A_341 = arith.index_cast %get3A_340 : i32 to index
    %get3A_342 = arith.constant 64 : index
    %get3A_343 = tpu.vector_load %arg7[%get3A_341, %get3A_342] {strides = array<i32>} : memref<8x128xi32, #tpu.memory_space<vmem>>, vector<1x16xi32>,
    %get3A_344 = vector.shape_cast %get3A_343 : vector<1x16xi32> to vector<16xi32>
    %add3A_345 = vector.broadcast %mul3A_81 : i32 to vector<16xi32>
    %add3A_346 = arith.addi %get3A_344, %add3A_345 : vector<16xi32>
    %swap3A_347 = arith.constant 2 : i32
    %swap3A_348 = arith.index_cast %swap3A_347 : i32 to index
    %swap3A_349 = arith.constant 64 : index
    %swap3A_350 = tpu.vector_load %arg7[%swap3A_348, %swap3A_349] {strides = array<i32>} : memref<8x128xi32, #tpu.memory_space<vmem>>, vector<1x16xi32>,
    %swap3A_351 = vector.shape_cast %swap3A_350 : vector<1x16xi32> to vector<16xi32>
    %swap3A_352 = vector.shape_cast %add3A_346 : vector<16xi32> to vector<1x16xi32>
    tpu.vector_store %arg7[%swap3A_348, %swap3A_349], %swap3A_352 {strides = array<i32>} : memref<8x128xi32, #tpu.memory_space<vmem>>, vector<1x16xi32>,
    %get3A_353 = arith.constant 2 : i32
    %get3A_354 = arith.index_cast %get3A_353 : i32 to index
    %get3A_355 = arith.constant 80 : index
    %get3A_356 = tpu.vector_load %arg7[%get3A_354, %get3A_355] {strides = array<i32>} : memref<8x128xi32, #tpu.memory_space<vmem>>, vector<1x16xi32>,
    %get3A_357 = vector.shape_cast %get3A_356 : vector<1x16xi32> to vector<16xi32>
    %add3A_358 = vector.broadcast %mul3A_81 : i32 to vector<16xi32>
    %add3A_359 = arith.addi %get3A_357, %add3A_358 : vector<16xi32>
    %swap3A_360 = arith.constant 2 : i32
    %swap3A_361 = arith.index_cast %swap3A_360 : i32 to index
    %swap3A_362 = arith.constant 80 : index
    %swap3A_363 = tpu.vector_load %arg7[%swap3A_361, %swap3A_362] {strides = array<i32>} : memref<8x128xi32, #tpu.memory_space<vmem>>, vector<1x16xi32>,
    %swap3A_364 = vector.shape_cast %swap3A_363 : vector<1x16xi32> to vector<16xi32>
    %swap3A_365 = vector.shape_cast %add3A_359 : vector<16xi32> to vector<1x16xi32>
    tpu.vector_store %arg7[%swap3A_361, %swap3A_362], %swap3A_365 {strides = array<i32>} : memref<8x128xi32, #tpu.memory_space<vmem>>, vector<1x16xi32>,
    %get3A_366 = arith.constant 2 : i32
    %get3A_367 = arith.index_cast %get3A_366 : i32 to index
    %get3A_368 = arith.constant 96 : index
    %get3A_369 = tpu.vector_load %arg7[%get3A_367, %get3A_368] {strides = array<i32>} : memref<8x128xi32, #tpu.memory_space<vmem>>, vector<1x16xi32>,
    %get3A_370 = vector.shape_cast %get3A_369 : vector<1x16xi32> to vector<16xi32>
    %add3A_371 = vector.broadcast %mul3A_81 : i32 to vector<16xi32>
    %add3A_372 = arith.addi %get3A_370, %add3A_371 : vector<16xi32>
    %swap3A_373 = arith.constant 2 : i32
    %swap3A_374 = arith.index_cast %swap3A_373 : i32 to index
    %swap3A_375 = arith.constant 96 : index
    %swap3A_376 = tpu.vector_load %arg7[%swap3A_374, %swap3A_375] {strides = array<i32>} : memref<8x128xi32, #tpu.memory_space<vmem>>, vector<1x16xi32>,
    %swap3A_377 = vector.shape_cast %swap3A_376 : vector<1x16xi32> to vector<16xi32>
    %swap3A_378 = vector.shape_cast %add3A_372 : vector<16xi32> to vector<1x16xi32>
    tpu.vector_store %arg7[%swap3A_374, %swap3A_375], %swap3A_378 {strides = array<i32>} : memref<8x128xi32, #tpu.memory_space<vmem>>, vector<1x16xi32>,
    %get3A_379 = arith.constant 2 : i32
    %get3A_380 = arith.index_cast %get3A_379 : i32 to index
    %get3A_381 = arith.constant 112 : index
    %get3A_382 = tpu.vector_load %arg7[%get3A_380, %get3A_381] {strides = array<i32>} : memref<8x128xi32, #tpu.memory_space<vmem>>, vector<1x16xi32>,
    %get3A_383 = vector.shape_cast %get3A_382 : vector<1x16xi32> to vector<16xi32>
    %add3A_384 = vector.broadcast %mul3A_81 : i32 to vector<16xi32>
    %add3A_385 = arith.addi %get3A_383, %add3A_384 : vector<16xi32>
    %swap3A_386 = arith.constant 2 : i32
    %swap3A_387 = arith.index_cast %swap3A_386 : i32 to index
    %swap3A_388 = arith.constant 112 : index
    %swap3A_389 = tpu.vector_load %arg7[%swap3A_387, %swap3A_388] {strides = array<i32>} : memref<8x128xi32, #tpu.memory_space<vmem>>, vector<1x16xi32>,
    %swap3A_390 = vector.shape_cast %swap3A_389 : vector<1x16xi32> to vector<16xi32>
    %swap3A_391 = vector.shape_cast %add3A_385 : vector<16xi32> to vector<1x16xi32>
    tpu.vector_store %arg7[%swap3A_387, %swap3A_388], %swap3A_391 {strides = array<i32>} : memref<8x128xi32, #tpu.memory_space<vmem>>, vector<1x16xi32>,
    %get3A_392 = arith.constant 3 : i32
    %get3A_393 = arith.index_cast %get3A_392 : i32 to index
    %get3A_394 = arith.constant 0 : index
    %get3A_395 = tpu.vector_load %arg7[%get3A_393, %get3A_394] {strides = array<i32>} : memref<8x128xi32, #tpu.memory_space<vmem>>, vector<1x16xi32>,
    %get3A_396 = vector.shape_cast %get3A_395 : vector<1x16xi32> to vector<16xi32>
    %add3A_397 = vector.broadcast %mul3A_81 : i32 to vector<16xi32>
    %add3A_398 = arith.addi %get3A_396, %add3A_397 : vector<16xi32>
    %swap3A_399 = arith.constant 3 : i32
    %swap3A_400 = arith.index_cast %swap3A_399 : i32 to index
    %swap3A_401 = arith.constant 0 : index
    %swap3A_402 = tpu.vector_load %arg7[%swap3A_400, %swap3A_401] {strides = array<i32>} : memref<8x128xi32, #tpu.memory_space<vmem>>, vector<1x16xi32>,
    %swap3A_403 = vector.shape_cast %swap3A_402 : vector<1x16xi32> to vector<16xi32>
    %swap3A_404 = vector.shape_cast %add3A_398 : vector<16xi32> to vector<1x16xi32>
    tpu.vector_store %arg7[%swap3A_400, %swap3A_401], %swap3A_404 {strides = array<i32>} : memref<8x128xi32, #tpu.memory_space<vmem>>, vector<1x16xi32>,
    %get3A_405 = arith.constant 3 : i32
    %get3A_406 = arith.index_cast %get3A_405 : i32 to index
    %get3A_407 = arith.constant 16 : index
    %get3A_408 = tpu.vector_load %arg7[%get3A_406, %get3A_407] {strides = array<i32>} : memref<8x128xi32, #tpu.memory_space<vmem>>, vector<1x16xi32>,
    %get3A_409 = vector.shape_cast %get3A_408 : vector<1x16xi32> to vector<16xi32>
    %add3A_410 = vector.broadcast %mul3A_81 : i32 to vector<16xi32>
    %add3A_411 = arith.addi %get3A_409, %add3A_410 : vector<16xi32>
    %swap3A_412 = arith.constant 3 : i32
    %swap3A_413 = arith.index_cast %swap3A_412 : i32 to index
    %swap3A_414 = arith.constant 16 : index
    %swap3A_415 = tpu.vector_load %arg7[%swap3A_413, %swap3A_414] {strides = array<i32>} : memref<8x128xi32, #tpu.memory_space<vmem>>, vector<1x16xi32>,
    %swap3A_416 = vector.shape_cast %swap3A_415 : vector<1x16xi32> to vector<16xi32>
    %swap3A_417 = vector.shape_cast %add3A_411 : vector<16xi32> to vector<1x16xi32>
    tpu.vector_store %arg7[%swap3A_413, %swap3A_414], %swap3A_417 {strides = array<i32>} : memref<8x128xi32, #tpu.memory_space<vmem>>, vector<1x16xi32>,
    %get3A_418 = arith.constant 3 : i32
    %get3A_419 = arith.index_cast %get3A_418 : i32 to index
    %get3A_420 = arith.constant 32 : index
    %get3A_421 = tpu.vector_load %arg7[%get3A_419, %get3A_420] {strides = array<i32>} : memref<8x128xi32, #tpu.memory_space<vmem>>, vector<1x16xi32>,
    %get3A_422 = vector.shape_cast %get3A_421 : vector<1x16xi32> to vector<16xi32>
    %add3A_423 = vector.broadcast %mul3A_81 : i32 to vector<16xi32>
    %add3A_424 = arith.addi %get3A_422, %add3A_423 : vector<16xi32>
    %swap3A_425 = arith.constant 3 : i32
    %swap3A_426 = arith.index_cast %swap3A_425 : i32 to index
    %swap3A_427 = arith.constant 32 : index
    %swap3A_428 = tpu.vector_load %arg7[%swap3A_426, %swap3A_427] {strides = array<i32>} : memref<8x128xi32, #tpu.memory_space<vmem>>, vector<1x16xi32>,
    %swap3A_429 = vector.shape_cast %swap3A_428 : vector<1x16xi32> to vector<16xi32>
    %swap3A_430 = vector.shape_cast %add3A_424 : vector<16xi32> to vector<1x16xi32>
    tpu.vector_store %arg7[%swap3A_426, %swap3A_427], %swap3A_430 {strides = array<i32>} : memref<8x128xi32, #tpu.memory_space<vmem>>, vector<1x16xi32>,
    %get3A_431 = arith.constant 3 : i32
    %get3A_432 = arith.index_cast %get3A_431 : i32 to index
    %get3A_433 = arith.constant 48 : index
    %get3A_434 = tpu.vector_load %arg7[%get3A_432, %get3A_433] {strides = array<i32>} : memref<8x128xi32, #tpu.memory_space<vmem>>, vector<1x16xi32>,
    %get3A_435 = vector.shape_cast %get3A_434 : vector<1x16xi32> to vector<16xi32>
    %add3A_436 = vector.broadcast %mul3A_81 : i32 to vector<16xi32>
    %add3A_437 = arith.addi %get3A_435, %add3A_436 : vector<16xi32>
    %swap3A_438 = arith.constant 3 : i32
    %swap3A_439 = arith.index_cast %swap3A_438 : i32 to index
    %swap3A_440 = arith.constant 48 : index
    %swap3A_441 = tpu.vector_load %arg7[%swap3A_439, %swap3A_440] {strides = array<i32>} : memref<8x128xi32, #tpu.memory_space<vmem>>, vector<1x16xi32>,
    %swap3A_442 = vector.shape_cast %swap3A_441 : vector<1x16xi32> to vector<16xi32>
    %swap3A_443 = vector.shape_cast %add3A_437 : vector<16xi32> to vector<1x16xi32>
    tpu.vector_store %arg7[%swap3A_439, %swap3A_440], %swap3A_443 {strides = array<i32>} : memref<8x128xi32, #tpu.memory_space<vmem>>, vector<1x16xi32>,
    %get3A_444 = arith.constant 3 : i32
    %get3A_445 = arith.index_cast %get3A_444 : i32 to index
    %get3A_446 = arith.constant 64 : index
    %get3A_447 = tpu.vector_load %arg7[%get3A_445, %get3A_446] {strides = array<i32>} : memref<8x128xi32, #tpu.memory_space<vmem>>, vector<1x16xi32>,
    %get3A_448 = vector.shape_cast %get3A_447 : vector<1x16xi32> to vector<16xi32>
    %add3A_449 = vector.broadcast %mul3A_81 : i32 to vector<16xi32>
    %add3A_450 = arith.addi %get3A_448, %add3A_449 : vector<16xi32>
    %swap3A_451 = arith.constant 3 : i32
    %swap3A_452 = arith.index_cast %swap3A_451 : i32 to index
    %swap3A_453 = arith.constant 64 : index
    %swap3A_454 = tpu.vector_load %arg7[%swap3A_452, %swap3A_453] {strides = array<i32>} : memref<8x128xi32, #tpu.memory_space<vmem>>, vector<1x16xi32>,
    %swap3A_455 = vector.shape_cast %swap3A_454 : vector<1x16xi32> to vector<16xi32>
    %swap3A_456 = vector.shape_cast %add3A_450 : vector<16xi32> to vector<1x16xi32>
    tpu.vector_store %arg7[%swap3A_452, %swap3A_453], %swap3A_456 {strides = array<i32>} : memref<8x128xi32, #tpu.memory_space<vmem>>, vector<1x16xi32>,
    %get3A_457 = arith.constant 3 : i32
    %get3A_458 = arith.index_cast %get3A_457 : i32 to index
    %get3A_459 = arith.constant 80 : index
    %get3A_460 = tpu.vector_load %arg7[%get3A_458, %get3A_459] {strides = array<i32>} : memref<8x128xi32, #tpu.memory_space<vmem>>, vector<1x16xi32>,
    %get3A_461 = vector.shape_cast %get3A_460 : vector<1x16xi32> to vector<16xi32>
    %add3A_462 = vector.broadcast %mul3A_81 : i32 to vector<16xi32>
    %add3A_463 = arith.addi %get3A_461, %add3A_462 : vector<16xi32>
    %swap3A_464 = arith.constant 3 : i32
    %swap3A_465 = arith.index_cast %swap3A_464 : i32 to index
    %swap3A_466 = arith.constant 80 : index
    %swap3A_467 = tpu.vector_load %arg7[%swap3A_465, %swap3A_466] {strides = array<i32>} : memref<8x128xi32, #tpu.memory_space<vmem>>, vector<1x16xi32>,
    %swap3A_468 = vector.shape_cast %swap3A_467 : vector<1x16xi32> to vector<16xi32>
    %swap3A_469 = vector.shape_cast %add3A_463 : vector<16xi32> to vector<1x16xi32>
    tpu.vector_store %arg7[%swap3A_465, %swap3A_466], %swap3A_469 {strides = array<i32>} : memref<8x128xi32, #tpu.memory_space<vmem>>, vector<1x16xi32>,
    %get3A_470 = arith.constant 3 : i32
    %get3A_471 = arith.index_cast %get3A_470 : i32 to index
    %get3A_472 = arith.constant 96 : index
    %get3A_473 = tpu.vector_load %arg7[%get3A_471, %get3A_472] {strides = array<i32>} : memref<8x128xi32, #tpu.memory_space<vmem>>, vector<1x16xi32>,
    %get3A_474 = vector.shape_cast %get3A_473 : vector<1x16xi32> to vector<16xi32>
    %add3A_475 = vector.broadcast %mul3A_81 : i32 to vector<16xi32>
    %add3A_476 = arith.addi %get3A_474, %add3A_475 : vector<16xi32>
    %swap3A_477 = arith.constant 3 : i32
    %swap3A_478 = arith.index_cast %swap3A_477 : i32 to index
    %swap3A_479 = arith.constant 96 : index
    %swap3A_480 = tpu.vector_load %arg7[%swap3A_478, %swap3A_479] {strides = array<i32>} : memref<8x128xi32, #tpu.memory_space<vmem>>, vector<1x16xi32>,
    %swap3A_481 = vector.shape_cast %swap3A_480 : vector<1x16xi32> to vector<16xi32>
    %swap3A_482 = vector.shape_cast %add3A_476 : vector<16xi32> to vector<1x16xi32>
    tpu.vector_store %arg7[%swap3A_478, %swap3A_479], %swap3A_482 {strides = array<i32>} : memref<8x128xi32, #tpu.memory_space<vmem>>, vector<1x16xi32>,
    %get3A_483 = arith.constant 3 : i32
    %get3A_484 = arith.index_cast %get3A_483 : i32 to index
    %get3A_485 = arith.constant 112 : index
    %get3A_486 = tpu.vector_load %arg7[%get3A_484, %get3A_485] {strides = array<i32>} : memref<8x128xi32, #tpu.memory_space<vmem>>, vector<1x16xi32>,
    %get3A_487 = vector.shape_cast %get3A_486 : vector<1x16xi32> to vector<16xi32>
    %add3A_488 = vector.broadcast %mul3A_81 : i32 to vector<16xi32>
    %add3A_489 = arith.addi %get3A_487, %add3A_488 : vector<16xi32>
    %swap3A_490 = arith.constant 3 : i32
    %swap3A_491 = arith.index_cast %swap3A_490 : i32 to index
    %swap3A_492 = arith.constant 112 : index
    %swap3A_493 = tpu.vector_load %arg7[%swap3A_491, %swap3A_492] {strides = array<i32>} : memref<8x128xi32, #tpu.memory_space<vmem>>, vector<1x16xi32>,
    %swap3A_494 = vector.shape_cast %swap3A_493 : vector<1x16xi32> to vector<16xi32>
    %swap3A_495 = vector.shape_cast %add3A_489 : vector<16xi32> to vector<1x16xi32>
    tpu.vector_store %arg7[%swap3A_491, %swap3A_492], %swap3A_495 {strides = array<i32>} : memref<8x128xi32, #tpu.memory_space<vmem>>, vector<1x16xi32>,
    %get3A_496 = arith.constant 4 : i32
    %get3A_497 = arith.index_cast %get3A_496 : i32 to index
    %get3A_498 = arith.constant 0 : index
    %get3A_499 = tpu.vector_load %arg7[%get3A_497, %get3A_498] {strides = array<i32>} : memref<8x128xi32, #tpu.memory_space<vmem>>, vector<1x16xi32>,
    %get3A_500 = vector.shape_cast %get3A_499 : vector<1x16xi32> to vector<16xi32>
    %add3A_501 = vector.broadcast %mul3A_81 : i32 to vector<16xi32>
    %add3A_502 = arith.addi %get3A_500, %add3A_501 : vector<16xi32>
    %swap3A_503 = arith.constant 4 : i32
    %swap3A_504 = arith.index_cast %swap3A_503 : i32 to index
    %swap3A_505 = arith.constant 0 : index
    %swap3A_506 = tpu.vector_load %arg7[%swap3A_504, %swap3A_505] {strides = array<i32>} : memref<8x128xi32, #tpu.memory_space<vmem>>, vector<1x16xi32>,
    %swap3A_507 = vector.shape_cast %swap3A_506 : vector<1x16xi32> to vector<16xi32>
    %swap3A_508 = vector.shape_cast %add3A_502 : vector<16xi32> to vector<1x16xi32>
    tpu.vector_store %arg7[%swap3A_504, %swap3A_505], %swap3A_508 {strides = array<i32>} : memref<8x128xi32, #tpu.memory_space<vmem>>, vector<1x16xi32>,
    %get3A_509 = arith.constant 4 : i32
    %get3A_510 = arith.index_cast %get3A_509 : i32 to index
    %get3A_511 = arith.constant 16 : index
    %get3A_512 = tpu.vector_load %arg7[%get3A_510, %get3A_511] {strides = array<i32>} : memref<8x128xi32, #tpu.memory_space<vmem>>, vector<1x16xi32>,
    %get3A_513 = vector.shape_cast %get3A_512 : vector<1x16xi32> to vector<16xi32>
    %add3A_514 = vector.broadcast %mul3A_81 : i32 to vector<16xi32>
    %add3A_515 = arith.addi %get3A_513, %add3A_514 : vector<16xi32>
    %swap3A_516 = arith.constant 4 : i32
    %swap3A_517 = arith.index_cast %swap3A_516 : i32 to index
    %swap3A_518 = arith.constant 16 : index
    %swap3A_519 = tpu.vector_load %arg7[%swap3A_517, %swap3A_518] {strides = array<i32>} : memref<8x128xi32, #tpu.memory_space<vmem>>, vector<1x16xi32>,
    %swap3A_520 = vector.shape_cast %swap3A_519 : vector<1x16xi32> to vector<16xi32>
    %swap3A_521 = vector.shape_cast %add3A_515 : vector<16xi32> to vector<1x16xi32>
    tpu.vector_store %arg7[%swap3A_517, %swap3A_518], %swap3A_521 {strides = array<i32>} : memref<8x128xi32, #tpu.memory_space<vmem>>, vector<1x16xi32>,
    %get3A_522 = arith.constant 4 : i32
    %get3A_523 = arith.index_cast %get3A_522 : i32 to index
    %get3A_524 = arith.constant 32 : index
    %get3A_525 = tpu.vector_load %arg7[%get3A_523, %get3A_524] {strides = array<i32>} : memref<8x128xi32, #tpu.memory_space<vmem>>, vector<1x16xi32>,
    %get3A_526 = vector.shape_cast %get3A_525 : vector<1x16xi32> to vector<16xi32>
    %add3A_527 = vector.broadcast %mul3A_81 : i32 to vector<16xi32>
    %add3A_528 = arith.addi %get3A_526, %add3A_527 : vector<16xi32>
    %swap3A_529 = arith.constant 4 : i32
    %swap3A_530 = arith.index_cast %swap3A_529 : i32 to index
    %swap3A_531 = arith.constant 32 : index
    %swap3A_532 = tpu.vector_load %arg7[%swap3A_530, %swap3A_531] {strides = array<i32>} : memref<8x128xi32, #tpu.memory_space<vmem>>, vector<1x16xi32>,
    %swap3A_533 = vector.shape_cast %swap3A_532 : vector<1x16xi32> to vector<16xi32>
    %swap3A_534 = vector.shape_cast %add3A_528 : vector<16xi32> to vector<1x16xi32>
    tpu.vector_store %arg7[%swap3A_530, %swap3A_531], %swap3A_534 {strides = array<i32>} : memref<8x128xi32, #tpu.memory_space<vmem>>, vector<1x16xi32>,
    %get3A_535 = arith.constant 4 : i32
    %get3A_536 = arith.index_cast %get3A_535 : i32 to index
    %get3A_537 = arith.constant 48 : index
    %get3A_538 = tpu.vector_load %arg7[%get3A_536, %get3A_537] {strides = array<i32>} : memref<8x128xi32, #tpu.memory_space<vmem>>, vector<1x16xi32>,
    %get3A_539 = vector.shape_cast %get3A_538 : vector<1x16xi32> to vector<16xi32>
    %add3A_540 = vector.broadcast %mul3A_81 : i32 to vector<16xi32>
    %add3A_541 = arith.addi %get3A_539, %add3A_540 : vector<16xi32>
    %swap3A_542 = arith.constant 4 : i32
    %swap3A_543 = arith.index_cast %swap3A_542 : i32 to index
    %swap3A_544 = arith.constant 48 : index
    %swap3A_545 = tpu.vector_load %arg7[%swap3A_543, %swap3A_544] {strides = array<i32>} : memref<8x128xi32, #tpu.memory_space<vmem>>, vector<1x16xi32>,
    %swap3A_546 = vector.shape_cast %swap3A_545 : vector<1x16xi32> to vector<16xi32>
    %swap3A_547 = vector.shape_cast %add3A_541 : vector<16xi32> to vector<1x16xi32>
    tpu.vector_store %arg7[%swap3A_543, %swap3A_544], %swap3A_547 {strides = array<i32>} : memref<8x128xi32, #tpu.memory_space<vmem>>, vector<1x16xi32>,
    %get3A_548 = arith.constant 4 : i32
    %get3A_549 = arith.index_cast %get3A_548 : i32 to index
    %get3A_550 = arith.constant 64 : index
    %get3A_551 = tpu.vector_load %arg7[%get3A_549, %get3A_550] {strides = array<i32>} : memref<8x128xi32, #tpu.memory_space<vmem>>, vector<1x16xi32>,
    %get3A_552 = vector.shape_cast %get3A_551 : vector<1x16xi32> to vector<16xi32>
    %add3A_553 = vector.broadcast %mul3A_81 : i32 to vector<16xi32>
    %add3A_554 = arith.addi %get3A_552, %add3A_553 : vector<16xi32>
    %swap3A_555 = arith.constant 4 : i32
    %swap3A_556 = arith.index_cast %swap3A_555 : i32 to index
    %swap3A_557 = arith.constant 64 : index
    %swap3A_558 = tpu.vector_load %arg7[%swap3A_556, %swap3A_557] {strides = array<i32>} : memref<8x128xi32, #tpu.memory_space<vmem>>, vector<1x16xi32>,
    %swap3A_559 = vector.shape_cast %swap3A_558 : vector<1x16xi32> to vector<16xi32>
    %swap3A_560 = vector.shape_cast %add3A_554 : vector<16xi32> to vector<1x16xi32>
    tpu.vector_store %arg7[%swap3A_556, %swap3A_557], %swap3A_560 {strides = array<i32>} : memref<8x128xi32, #tpu.memory_space<vmem>>, vector<1x16xi32>,
    %get3A_561 = arith.constant 4 : i32
    %get3A_562 = arith.index_cast %get3A_561 : i32 to index
    %get3A_563 = arith.constant 80 : index
    %get3A_564 = tpu.vector_load %arg7[%get3A_562, %get3A_563] {strides = array<i32>} : memref<8x128xi32, #tpu.memory_space<vmem>>, vector<1x16xi32>,
    %get3A_565 = vector.shape_cast %get3A_564 : vector<1x16xi32> to vector<16xi32>
    %add3A_566 = vector.broadcast %mul3A_81 : i32 to vector<16xi32>
    %add3A_567 = arith.addi %get3A_565, %add3A_566 : vector<16xi32>
    %swap3A_568 = arith.constant 4 : i32
    %swap3A_569 = arith.index_cast %swap3A_568 : i32 to index
    %swap3A_570 = arith.constant 80 : index
    %swap3A_571 = tpu.vector_load %arg7[%swap3A_569, %swap3A_570] {strides = array<i32>} : memref<8x128xi32, #tpu.memory_space<vmem>>, vector<1x16xi32>,
    %swap3A_572 = vector.shape_cast %swap3A_571 : vector<1x16xi32> to vector<16xi32>
    %swap3A_573 = vector.shape_cast %add3A_567 : vector<16xi32> to vector<1x16xi32>
    tpu.vector_store %arg7[%swap3A_569, %swap3A_570], %swap3A_573 {strides = array<i32>} : memref<8x128xi32, #tpu.memory_space<vmem>>, vector<1x16xi32>,
    %get3A_574 = arith.constant 4 : i32
    %get3A_575 = arith.index_cast %get3A_574 : i32 to index
    %get3A_576 = arith.constant 96 : index
    %get3A_577 = tpu.vector_load %arg7[%get3A_575, %get3A_576] {strides = array<i32>} : memref<8x128xi32, #tpu.memory_space<vmem>>, vector<1x16xi32>,
    %get3A_578 = vector.shape_cast %get3A_577 : vector<1x16xi32> to vector<16xi32>
    %add3A_579 = vector.broadcast %mul3A_81 : i32 to vector<16xi32>
    %add3A_580 = arith.addi %get3A_578, %add3A_579 : vector<16xi32>
    %swap3A_581 = arith.constant 4 : i32
    %swap3A_582 = arith.index_cast %swap3A_581 : i32 to index
    %swap3A_583 = arith.constant 96 : index
    %swap3A_584 = tpu.vector_load %arg7[%swap3A_582, %swap3A_583] {strides = array<i32>} : memref<8x128xi32, #tpu.memory_space<vmem>>, vector<1x16xi32>,
    %swap3A_585 = vector.shape_cast %swap3A_584 : vector<1x16xi32> to vector<16xi32>
    %swap3A_586 = vector.shape_cast %add3A_580 : vector<16xi32> to vector<1x16xi32>
    tpu.vector_store %arg7[%swap3A_582, %swap3A_583], %swap3A_586 {strides = array<i32>} : memref<8x128xi32, #tpu.memory_space<vmem>>, vector<1x16xi32>,
    %get3A_587 = arith.constant 4 : i32
    %get3A_588 = arith.index_cast %get3A_587 : i32 to index
    %get3A_589 = arith.constant 112 : index
    %get3A_590 = tpu.vector_load %arg7[%get3A_588, %get3A_589] {strides = array<i32>} : memref<8x128xi32, #tpu.memory_space<vmem>>, vector<1x16xi32>,
    %get3A_591 = vector.shape_cast %get3A_590 : vector<1x16xi32> to vector<16xi32>
    %add3A_592 = vector.broadcast %mul3A_81 : i32 to vector<16xi32>
    %add3A_593 = arith.addi %get3A_591, %add3A_592 : vector<16xi32>
    %swap3A_594 = arith.constant 4 : i32
    %swap3A_595 = arith.index_cast %swap3A_594 : i32 to index
    %swap3A_596 = arith.constant 112 : index
    %swap3A_597 = tpu.vector_load %arg7[%swap3A_595, %swap3A_596] {strides = array<i32>} : memref<8x128xi32, #tpu.memory_space<vmem>>, vector<1x16xi32>,
    %swap3A_598 = vector.shape_cast %swap3A_597 : vector<1x16xi32> to vector<16xi32>
    %swap3A_599 = vector.shape_cast %add3A_593 : vector<16xi32> to vector<1x16xi32>
    tpu.vector_store %arg7[%swap3A_595, %swap3A_596], %swap3A_599 {strides = array<i32>} : memref<8x128xi32, #tpu.memory_space<vmem>>, vector<1x16xi32>,
    %get3A_600 = arith.constant 5 : i32
    %get3A_601 = arith.index_cast %get3A_600 : i32 to index
    %get3A_602 = arith.constant 0 : index
    %get3A_603 = tpu.vector_load %arg7[%get3A_601, %get3A_602] {strides = array<i32>} : memref<8x128xi32, #tpu.memory_space<vmem>>, vector<1x16xi32>,
    %get3A_604 = vector.shape_cast %get3A_603 : vector<1x16xi32> to vector<16xi32>
    %add3A_605 = vector.broadcast %mul3A_81 : i32 to vector<16xi32>
    %add3A_606 = arith.addi %get3A_604, %add3A_605 : vector<16xi32>
    %swap3A_607 = arith.constant 5 : i32
    %swap3A_608 = arith.index_cast %swap3A_607 : i32 to index
    %swap3A_609 = arith.constant 0 : index
    %swap3A_610 = tpu.vector_load %arg7[%swap3A_608, %swap3A_609] {strides = array<i32>} : memref<8x128xi32, #tpu.memory_space<vmem>>, vector<1x16xi32>,
    %swap3A_611 = vector.shape_cast %swap3A_610 : vector<1x16xi32> to vector<16xi32>
    %swap3A_612 = vector.shape_cast %add3A_606 : vector<16xi32> to vector<1x16xi32>
    tpu.vector_store %arg7[%swap3A_608, %swap3A_609], %swap3A_612 {strides = array<i32>} : memref<8x128xi32, #tpu.memory_space<vmem>>, vector<1x16xi32>,
    %get3A_613 = arith.constant 5 : i32
    %get3A_614 = arith.index_cast %get3A_613 : i32 to index
    %get3A_615 = arith.constant 16 : index
    %get3A_616 = tpu.vector_load %arg7[%get3A_614, %get3A_615] {strides = array<i32>} : memref<8x128xi32, #tpu.memory_space<vmem>>, vector<1x16xi32>,
    %get3A_617 = vector.shape_cast %get3A_616 : vector<1x16xi32> to vector<16xi32>
    %add3A_618 = vector.broadcast %mul3A_81 : i32 to vector<16xi32>
    %add3A_619 = arith.addi %get3A_617, %add3A_618 : vector<16xi32>
    %swap3A_620 = arith.constant 5 : i32
    %swap3A_621 = arith.index_cast %swap3A_620 : i32 to index
    %swap3A_622 = arith.constant 16 : index
    %swap3A_623 = tpu.vector_load %arg7[%swap3A_621, %swap3A_622] {strides = array<i32>} : memref<8x128xi32, #tpu.memory_space<vmem>>, vector<1x16xi32>,
    %swap3A_624 = vector.shape_cast %swap3A_623 : vector<1x16xi32> to vector<16xi32>
    %swap3A_625 = vector.shape_cast %add3A_619 : vector<16xi32> to vector<1x16xi32>
    tpu.vector_store %arg7[%swap3A_621, %swap3A_622], %swap3A_625 {strides = array<i32>} : memref<8x128xi32, #tpu.memory_space<vmem>>, vector<1x16xi32>,
    %get3A_626 = arith.constant 5 : i32
    %get3A_627 = arith.index_cast %get3A_626 : i32 to index
    %get3A_628 = arith.constant 32 : index
    %get3A_629 = tpu.vector_load %arg7[%get3A_627, %get3A_628] {strides = array<i32>} : memref<8x128xi32, #tpu.memory_space<vmem>>, vector<1x16xi32>,
    %get3A_630 = vector.shape_cast %get3A_629 : vector<1x16xi32> to vector<16xi32>
    %add3A_631 = vector.broadcast %mul3A_81 : i32 to vector<16xi32>
    %add3A_632 = arith.addi %get3A_630, %add3A_631 : vector<16xi32>
    %swap3A_633 = arith.constant 5 : i32
    %swap3A_634 = arith.index_cast %swap3A_633 : i32 to index
    %swap3A_635 = arith.constant 32 : index
    %swap3A_636 = tpu.vector_load %arg7[%swap3A_634, %swap3A_635] {strides = array<i32>} : memref<8x128xi32, #tpu.memory_space<vmem>>, vector<1x16xi32>,
    %swap3A_637 = vector.shape_cast %swap3A_636 : vector<1x16xi32> to vector<16xi32>
    %swap3A_638 = vector.shape_cast %add3A_632 : vector<16xi32> to vector<1x16xi32>
    tpu.vector_store %arg7[%swap3A_634, %swap3A_635], %swap3A_638 {strides = array<i32>} : memref<8x128xi32, #tpu.memory_space<vmem>>, vector<1x16xi32>,
    %get3A_639 = arith.constant 5 : i32
    %get3A_640 = arith.index_cast %get3A_639 : i32 to index
    %get3A_641 = arith.constant 48 : index
    %get3A_642 = tpu.vector_load %arg7[%get3A_640, %get3A_641] {strides = array<i32>} : memref<8x128xi32, #tpu.memory_space<vmem>>, vector<1x16xi32>,
    %get3A_643 = vector.shape_cast %get3A_642 : vector<1x16xi32> to vector<16xi32>
    %add3A_644 = vector.broadcast %mul3A_81 : i32 to vector<16xi32>
    %add3A_645 = arith.addi %get3A_643, %add3A_644 : vector<16xi32>
    %swap3A_646 = arith.constant 5 : i32
    %swap3A_647 = arith.index_cast %swap3A_646 : i32 to index
    %swap3A_648 = arith.constant 48 : index
    %swap3A_649 = tpu.vector_load %arg7[%swap3A_647, %swap3A_648] {strides = array<i32>} : memref<8x128xi32, #tpu.memory_space<vmem>>, vector<1x16xi32>,
    %swap3A_650 = vector.shape_cast %swap3A_649 : vector<1x16xi32> to vector<16xi32>
    %swap3A_651 = vector.shape_cast %add3A_645 : vector<16xi32> to vector<1x16xi32>
    tpu.vector_store %arg7[%swap3A_647, %swap3A_648], %swap3A_651 {strides = array<i32>} : memref<8x128xi32, #tpu.memory_space<vmem>>, vector<1x16xi32>,
    %get3A_652 = arith.constant 5 : i32
    %get3A_653 = arith.index_cast %get3A_652 : i32 to index
    %get3A_654 = arith.constant 64 : index
    %get3A_655 = tpu.vector_load %arg7[%get3A_653, %get3A_654] {strides = array<i32>} : memref<8x128xi32, #tpu.memory_space<vmem>>, vector<1x16xi32>,
    %get3A_656 = vector.shape_cast %get3A_655 : vector<1x16xi32> to vector<16xi32>
    %add3A_657 = vector.broadcast %mul3A_81 : i32 to vector<16xi32>
    %add3A_658 = arith.addi %get3A_656, %add3A_657 : vector<16xi32>
    %swap3A_659 = arith.constant 5 : i32
    %swap3A_660 = arith.index_cast %swap3A_659 : i32 to index
    %swap3A_661 = arith.constant 64 : index
    %swap3A_662 = tpu.vector_load %arg7[%swap3A_660, %swap3A_661] {strides = array<i32>} : memref<8x128xi32, #tpu.memory_space<vmem>>, vector<1x16xi32>,
    %swap3A_663 = vector.shape_cast %swap3A_662 : vector<1x16xi32> to vector<16xi32>
    %swap3A_664 = vector.shape_cast %add3A_658 : vector<16xi32> to vector<1x16xi32>
    tpu.vector_store %arg7[%swap3A_660, %swap3A_661], %swap3A_664 {strides = array<i32>} : memref<8x128xi32, #tpu.memory_space<vmem>>, vector<1x16xi32>,
    %get3A_665 = arith.constant 5 : i32
    %get3A_666 = arith.index_cast %get3A_665 : i32 to index
    %get3A_667 = arith.constant 80 : index
    %get3A_668 = tpu.vector_load %arg7[%get3A_666, %get3A_667] {strides = array<i32>} : memref<8x128xi32, #tpu.memory_space<vmem>>, vector<1x16xi32>,
    %get3A_669 = vector.shape_cast %get3A_668 : vector<1x16xi32> to vector<16xi32>
    %add3A_670 = vector.broadcast %mul3A_81 : i32 to vector<16xi32>
    %add3A_671 = arith.addi %get3A_669, %add3A_670 : vector<16xi32>
    %swap3A_672 = arith.constant 5 : i32
    %swap3A_673 = arith.index_cast %swap3A_672 : i32 to index
    %swap3A_674 = arith.constant 80 : index
    %swap3A_675 = tpu.vector_load %arg7[%swap3A_673, %swap3A_674] {strides = array<i32>} : memref<8x128xi32, #tpu.memory_space<vmem>>, vector<1x16xi32>,
    %swap3A_676 = vector.shape_cast %swap3A_675 : vector<1x16xi32> to vector<16xi32>
    %swap3A_677 = vector.shape_cast %add3A_671 : vector<16xi32> to vector<1x16xi32>
    tpu.vector_store %arg7[%swap3A_673, %swap3A_674], %swap3A_677 {strides = array<i32>} : memref<8x128xi32, #tpu.memory_space<vmem>>, vector<1x16xi32>,
    %get3A_678 = arith.constant 5 : i32
    %get3A_679 = arith.index_cast %get3A_678 : i32 to index
    %get3A_680 = arith.constant 96 : index
    %get3A_681 = tpu.vector_load %arg7[%get3A_679, %get3A_680] {strides = array<i32>} : memref<8x128xi32, #tpu.memory_space<vmem>>, vector<1x16xi32>,
    %get3A_682 = vector.shape_cast %get3A_681 : vector<1x16xi32> to vector<16xi32>
    %add3A_683 = vector.broadcast %mul3A_81 : i32 to vector<16xi32>
    %add3A_684 = arith.addi %get3A_682, %add3A_683 : vector<16xi32>
    %swap3A_685 = arith.constant 5 : i32
    %swap3A_686 = arith.index_cast %swap3A_685 : i32 to index
    %swap3A_687 = arith.constant 96 : index
    %swap3A_688 = tpu.vector_load %arg7[%swap3A_686, %swap3A_687] {strides = array<i32>} : memref<8x128xi32, #tpu.memory_space<vmem>>, vector<1x16xi32>,
    %swap3A_689 = vector.shape_cast %swap3A_688 : vector<1x16xi32> to vector<16xi32>
    %swap3A_690 = vector.shape_cast %add3A_684 : vector<16xi32> to vector<1x16xi32>
    tpu.vector_store %arg7[%swap3A_686, %swap3A_687], %swap3A_690 {strides = array<i32>} : memref<8x128xi32, #tpu.memory_space<vmem>>, vector<1x16xi32>,
    %get3A_691 = arith.constant 5 : i32
    %get3A_692 = arith.index_cast %get3A_691 : i32 to index
    %get3A_693 = arith.constant 112 : index
    %get3A_694 = tpu.vector_load %arg7[%get3A_692, %get3A_693] {strides = array<i32>} : memref<8x128xi32, #tpu.memory_space<vmem>>, vector<1x16xi32>,
    %get3A_695 = vector.shape_cast %get3A_694 : vector<1x16xi32> to vector<16xi32>
    %add3A_696 = vector.broadcast %mul3A_81 : i32 to vector<16xi32>
    %add3A_697 = arith.addi %get3A_695, %add3A_696 : vector<16xi32>
    %swap3A_698 = arith.constant 5 : i32
    %swap3A_699 = arith.index_cast %swap3A_698 : i32 to index
    %swap3A_700 = arith.constant 112 : index
    %swap3A_701 = tpu.vector_load %arg7[%swap3A_699, %swap3A_700] {strides = array<i32>} : memref<8x128xi32, #tpu.memory_space<vmem>>, vector<1x16xi32>,
    %swap3A_702 = vector.shape_cast %swap3A_701 : vector<1x16xi32> to vector<16xi32>
    %swap3A_703 = vector.shape_cast %add3A_697 : vector<16xi32> to vector<1x16xi32>
    tpu.vector_store %arg7[%swap3A_699, %swap3A_700], %swap3A_703 {strides = array<i32>} : memref<8x128xi32, #tpu.memory_space<vmem>>, vector<1x16xi32>,
    %get3A_704 = arith.constant 6 : i32
    %get3A_705 = arith.index_cast %get3A_704 : i32 to index
    %get3A_706 = arith.constant 0 : index
    %get3A_707 = tpu.vector_load %arg7[%get3A_705, %get3A_706] {strides = array<i32>} : memref<8x128xi32, #tpu.memory_space<vmem>>, vector<1x16xi32>,
    %get3A_708 = vector.shape_cast %get3A_707 : vector<1x16xi32> to vector<16xi32>
    %add3A_709 = vector.broadcast %mul3A_81 : i32 to vector<16xi32>
    %add3A_710 = arith.addi %get3A_708, %add3A_709 : vector<16xi32>
    %swap3A_711 = arith.constant 6 : i32
    %swap3A_712 = arith.index_cast %swap3A_711 : i32 to index
    %swap3A_713 = arith.constant 0 : index
    %swap3A_714 = tpu.vector_load %arg7[%swap3A_712, %swap3A_713] {strides = array<i32>} : memref<8x128xi32, #tpu.memory_space<vmem>>, vector<1x16xi32>,
    %swap3A_715 = vector.shape_cast %swap3A_714 : vector<1x16xi32> to vector<16xi32>
    %swap3A_716 = vector.shape_cast %add3A_710 : vector<16xi32> to vector<1x16xi32>
    tpu.vector_store %arg7[%swap3A_712, %swap3A_713], %swap3A_716 {strides = array<i32>} : memref<8x128xi32, #tpu.memory_space<vmem>>, vector<1x16xi32>,
    %get3A_717 = arith.constant 6 : i32
    %get3A_718 = arith.index_cast %get3A_717 : i32 to index
    %get3A_719 = arith.constant 16 : index
    %get3A_720 = tpu.vector_load %arg7[%get3A_718, %get3A_719] {strides = array<i32>} : memref<8x128xi32, #tpu.memory_space<vmem>>, vector<1x16xi32>,
    %get3A_721 = vector.shape_cast %get3A_720 : vector<1x16xi32> to vector<16xi32>
    %add3A_722 = vector.broadcast %mul3A_81 : i32 to vector<16xi32>
    %add3A_723 = arith.addi %get3A_721, %add3A_722 : vector<16xi32>
    %swap3A_724 = arith.constant 6 : i32
    %swap3A_725 = arith.index_cast %swap3A_724 : i32 to index
    %swap3A_726 = arith.constant 16 : index
    %swap3A_727 = tpu.vector_load %arg7[%swap3A_725, %swap3A_726] {strides = array<i32>} : memref<8x128xi32, #tpu.memory_space<vmem>>, vector<1x16xi32>,
    %swap3A_728 = vector.shape_cast %swap3A_727 : vector<1x16xi32> to vector<16xi32>
    %swap3A_729 = vector.shape_cast %add3A_723 : vector<16xi32> to vector<1x16xi32>
    tpu.vector_store %arg7[%swap3A_725, %swap3A_726], %swap3A_729 {strides = array<i32>} : memref<8x128xi32, #tpu.memory_space<vmem>>, vector<1x16xi32>,
    %get3A_730 = arith.constant 6 : i32
    %get3A_731 = arith.index_cast %get3A_730 : i32 to index
    %get3A_732 = arith.constant 32 : index
    %get3A_733 = tpu.vector_load %arg7[%get3A_731, %get3A_732] {strides = array<i32>} : memref<8x128xi32, #tpu.memory_space<vmem>>, vector<1x16xi32>,
    %get3A_734 = vector.shape_cast %get3A_733 : vector<1x16xi32> to vector<16xi32>
    %add3A_735 = vector.broadcast %mul3A_81 : i32 to vector<16xi32>
    %add3A_736 = arith.addi %get3A_734, %add3A_735 : vector<16xi32>
    %swap3A_737 = arith.constant 6 : i32
    %swap3A_738 = arith.index_cast %swap3A_737 : i32 to index
    %swap3A_739 = arith.constant 32 : index
    %swap3A_740 = tpu.vector_load %arg7[%swap3A_738, %swap3A_739] {strides = array<i32>} : memref<8x128xi32, #tpu.memory_space<vmem>>, vector<1x16xi32>,
    %swap3A_741 = vector.shape_cast %swap3A_740 : vector<1x16xi32> to vector<16xi32>
    %swap3A_742 = vector.shape_cast %add3A_736 : vector<16xi32> to vector<1x16xi32>
    tpu.vector_store %arg7[%swap3A_738, %swap3A_739], %swap3A_742 {strides = array<i32>} : memref<8x128xi32, #tpu.memory_space<vmem>>, vector<1x16xi32>,
    %get3A_743 = arith.constant 6 : i32
    %get3A_744 = arith.index_cast %get3A_743 : i32 to index
    %get3A_745 = arith.constant 48 : index
    %get3A_746 = tpu.vector_load %arg7[%get3A_744, %get3A_745] {strides = array<i32>} : memref<8x128xi32, #tpu.memory_space<vmem>>, vector<1x16xi32>,
    %get3A_747 = vector.shape_cast %get3A_746 : vector<1x16xi32> to vector<16xi32>
    %add3A_748 = vector.broadcast %mul3A_81 : i32 to vector<16xi32>
    %add3A_749 = arith.addi %get3A_747, %add3A_748 : vector<16xi32>
    %swap3A_750 = arith.constant 6 : i32
    %swap3A_751 = arith.index_cast %swap3A_750 : i32 to index
    %swap3A_752 = arith.constant 48 : index
    %swap3A_753 = tpu.vector_load %arg7[%swap3A_751, %swap3A_752] {strides = array<i32>} : memref<8x128xi32, #tpu.memory_space<vmem>>, vector<1x16xi32>,
    %swap3A_754 = vector.shape_cast %swap3A_753 : vector<1x16xi32> to vector<16xi32>
    %swap3A_755 = vector.shape_cast %add3A_749 : vector<16xi32> to vector<1x16xi32>
    tpu.vector_store %arg7[%swap3A_751, %swap3A_752], %swap3A_755 {strides = array<i32>} : memref<8x128xi32, #tpu.memory_space<vmem>>, vector<1x16xi32>,
    %get3A_756 = arith.constant 6 : i32
    %get3A_757 = arith.index_cast %get3A_756 : i32 to index
    %get3A_758 = arith.constant 64 : index
    %get3A_759 = tpu.vector_load %arg7[%get3A_757, %get3A_758] {strides = array<i32>} : memref<8x128xi32, #tpu.memory_space<vmem>>, vector<1x16xi32>,
    %get3A_760 = vector.shape_cast %get3A_759 : vector<1x16xi32> to vector<16xi32>
    %add3A_761 = vector.broadcast %mul3A_81 : i32 to vector<16xi32>
    %add3A_762 = arith.addi %get3A_760, %add3A_761 : vector<16xi32>
    %swap3A_763 = arith.constant 6 : i32
    %swap3A_764 = arith.index_cast %swap3A_763 : i32 to index
    %swap3A_765 = arith.constant 64 : index
    %swap3A_766 = tpu.vector_load %arg7[%swap3A_764, %swap3A_765] {strides = array<i32>} : memref<8x128xi32, #tpu.memory_space<vmem>>, vector<1x16xi32>,
    %swap3A_767 = vector.shape_cast %swap3A_766 : vector<1x16xi32> to vector<16xi32>
    %swap3A_768 = vector.shape_cast %add3A_762 : vector<16xi32> to vector<1x16xi32>
    tpu.vector_store %arg7[%swap3A_764, %swap3A_765], %swap3A_768 {strides = array<i32>} : memref<8x128xi32, #tpu.memory_space<vmem>>, vector<1x16xi32>,
    %get3A_769 = arith.constant 6 : i32
    %get3A_770 = arith.index_cast %get3A_769 : i32 to index
    %get3A_771 = arith.constant 80 : index
    %get3A_772 = tpu.vector_load %arg7[%get3A_770, %get3A_771] {strides = array<i32>} : memref<8x128xi32, #tpu.memory_space<vmem>>, vector<1x16xi32>,
    %get3A_773 = vector.shape_cast %get3A_772 : vector<1x16xi32> to vector<16xi32>
    %add3A_774 = vector.broadcast %mul3A_81 : i32 to vector<16xi32>
    %add3A_775 = arith.addi %get3A_773, %add3A_774 : vector<16xi32>
    %swap3A_776 = arith.constant 6 : i32
    %swap3A_777 = arith.index_cast %swap3A_776 : i32 to index
    %swap3A_778 = arith.constant 80 : index
    %swap3A_779 = tpu.vector_load %arg7[%swap3A_777, %swap3A_778] {strides = array<i32>} : memref<8x128xi32, #tpu.memory_space<vmem>>, vector<1x16xi32>,
    %swap3A_780 = vector.shape_cast %swap3A_779 : vector<1x16xi32> to vector<16xi32>
    %swap3A_781 = vector.shape_cast %add3A_775 : vector<16xi32> to vector<1x16xi32>
    tpu.vector_store %arg7[%swap3A_777, %swap3A_778], %swap3A_781 {strides = array<i32>} : memref<8x128xi32, #tpu.memory_space<vmem>>, vector<1x16xi32>,
    %get3A_782 = arith.constant 6 : i32
    %get3A_783 = arith.index_cast %get3A_782 : i32 to index
    %get3A_784 = arith.constant 96 : index
    %get3A_785 = tpu.vector_load %arg7[%get3A_783, %get3A_784] {strides = array<i32>} : memref<8x128xi32, #tpu.memory_space<vmem>>, vector<1x16xi32>,
    %get3A_786 = vector.shape_cast %get3A_785 : vector<1x16xi32> to vector<16xi32>
    %add3A_787 = vector.broadcast %mul3A_81 : i32 to vector<16xi32>
    %add3A_788 = arith.addi %get3A_786, %add3A_787 : vector<16xi32>
    %swap3A_789 = arith.constant 6 : i32
    %swap3A_790 = arith.index_cast %swap3A_789 : i32 to index
    %swap3A_791 = arith.constant 96 : index
    %swap3A_792 = tpu.vector_load %arg7[%swap3A_790, %swap3A_791] {strides = array<i32>} : memref<8x128xi32, #tpu.memory_space<vmem>>, vector<1x16xi32>,
    %swap3A_793 = vector.shape_cast %swap3A_792 : vector<1x16xi32> to vector<16xi32>
    %swap3A_794 = vector.shape_cast %add3A_788 : vector<16xi32> to vector<1x16xi32>
    tpu.vector_store %arg7[%swap3A_790, %swap3A_791], %swap3A_794 {strides = array<i32>} : memref<8x128xi32, #tpu.memory_space<vmem>>, vector<1x16xi32>,
    %get3A_795 = arith.constant 6 : i32
    %get3A_796 = arith.index_cast %get3A_795 : i32 to index
    %get3A_797 = arith.constant 112 : index
    %get3A_798 = tpu.vector_load %arg7[%get3A_796, %get3A_797] {strides = array<i32>} : memref<8x128xi32, #tpu.memory_space<vmem>>, vector<1x16xi32>,
    %get3A_799 = vector.shape_cast %get3A_798 : vector<1x16xi32> to vector<16xi32>
    %add3A_800 = vector.broadcast %mul3A_81 : i32 to vector<16xi32>
    %add3A_801 = arith.addi %get3A_799, %add3A_800 : vector<16xi32>
    %swap3A_802 = arith.constant 6 : i32
    %swap3A_803 = arith.index_cast %swap3A_802 : i32 to index
    %swap3A_804 = arith.constant 112 : index
    %swap3A_805 = tpu.vector_load %arg7[%swap3A_803, %swap3A_804] {strides = array<i32>} : memref<8x128xi32, #tpu.memory_space<vmem>>, vector<1x16xi32>,
    %swap3A_806 = vector.shape_cast %swap3A_805 : vector<1x16xi32> to vector<16xi32>
    %swap3A_807 = vector.shape_cast %add3A_801 : vector<16xi32> to vector<1x16xi32>
    tpu.vector_store %arg7[%swap3A_803, %swap3A_804], %swap3A_807 {strides = array<i32>} : memref<8x128xi32, #tpu.memory_space<vmem>>, vector<1x16xi32>,
    %get3A_808 = arith.constant 7 : i32
    %get3A_809 = arith.index_cast %get3A_808 : i32 to index
    %get3A_810 = arith.constant 0 : index
    %get3A_811 = tpu.vector_load %arg7[%get3A_809, %get3A_810] {strides = array<i32>} : memref<8x128xi32, #tpu.memory_space<vmem>>, vector<1x16xi32>,
    %get3A_812 = vector.shape_cast %get3A_811 : vector<1x16xi32> to vector<16xi32>
    %add3A_813 = vector.broadcast %mul3A_81 : i32 to vector<16xi32>
    %add3A_814 = arith.addi %get3A_812, %add3A_813 : vector<16xi32>
    %swap3A_815 = arith.constant 7 : i32
    %swap3A_816 = arith.index_cast %swap3A_815 : i32 to index
    %swap3A_817 = arith.constant 0 : index
    %swap3A_818 = tpu.vector_load %arg7[%swap3A_816, %swap3A_817] {strides = array<i32>} : memref<8x128xi32, #tpu.memory_space<vmem>>, vector<1x16xi32>,
    %swap3A_819 = vector.shape_cast %swap3A_818 : vector<1x16xi32> to vector<16xi32>
    %swap3A_820 = vector.shape_cast %add3A_814 : vector<16xi32> to vector<1x16xi32>
    tpu.vector_store %arg7[%swap3A_816, %swap3A_817], %swap3A_820 {strides = array<i32>} : memref<8x128xi32, #tpu.memory_space<vmem>>, vector<1x16xi32>,
    %get3A_821 = arith.constant 7 : i32
    %get3A_822 = arith.index_cast %get3A_821 : i32 to index
    %get3A_823 = arith.constant 16 : index
    %get3A_824 = tpu.vector_load %arg7[%get3A_822, %get3A_823] {strides = array<i32>} : memref<8x128xi32, #tpu.memory_space<vmem>>, vector<1x16xi32>,
    %get3A_825 = vector.shape_cast %get3A_824 : vector<1x16xi32> to vector<16xi32>
    %add3A_826 = vector.broadcast %mul3A_81 : i32 to vector<16xi32>
    %add3A_827 = arith.addi %get3A_825, %add3A_826 : vector<16xi32>
    %swap3A_828 = arith.constant 7 : i32
    %swap3A_829 = arith.index_cast %swap3A_828 : i32 to index
    %swap3A_830 = arith.constant 16 : index
    %swap3A_831 = tpu.vector_load %arg7[%swap3A_829, %swap3A_830] {strides = array<i32>} : memref<8x128xi32, #tpu.memory_space<vmem>>, vector<1x16xi32>,
    %swap3A_832 = vector.shape_cast %swap3A_831 : vector<1x16xi32> to vector<16xi32>
    %swap3A_833 = vector.shape_cast %add3A_827 : vector<16xi32> to vector<1x16xi32>
    tpu.vector_store %arg7[%swap3A_829, %swap3A_830], %swap3A_833 {strides = array<i32>} : memref<8x128xi32, #tpu.memory_space<vmem>>, vector<1x16xi32>,
    %get3A_834 = arith.constant 7 : i32
    %get3A_835 = arith.index_cast %get3A_834 : i32 to index
    %get3A_836 = arith.constant 32 : index
    %get3A_837 = tpu.vector_load %arg7[%get3A_835, %get3A_836] {strides = array<i32>} : memref<8x128xi32, #tpu.memory_space<vmem>>, vector<1x16xi32>,
    %get3A_838 = vector.shape_cast %get3A_837 : vector<1x16xi32> to vector<16xi32>
    %add3A_839 = vector.broadcast %mul3A_81 : i32 to vector<16xi32>
    %add3A_840 = arith.addi %get3A_838, %add3A_839 : vector<16xi32>
    %swap3A_841 = arith.constant 7 : i32
    %swap3A_842 = arith.index_cast %swap3A_841 : i32 to index
    %swap3A_843 = arith.constant 32 : index
    %swap3A_844 = tpu.vector_load %arg7[%swap3A_842, %swap3A_843] {strides = array<i32>} : memref<8x128xi32, #tpu.memory_space<vmem>>, vector<1x16xi32>,
    %swap3A_845 = vector.shape_cast %swap3A_844 : vector<1x16xi32> to vector<16xi32>
    %swap3A_846 = vector.shape_cast %add3A_840 : vector<16xi32> to vector<1x16xi32>
    tpu.vector_store %arg7[%swap3A_842, %swap3A_843], %swap3A_846 {strides = array<i32>} : memref<8x128xi32, #tpu.memory_space<vmem>>, vector<1x16xi32>,
    %get3A_847 = arith.constant 7 : i32
    %get3A_848 = arith.index_cast %get3A_847 : i32 to index
    %get3A_849 = arith.constant 48 : index
    %get3A_850 = tpu.vector_load %arg7[%get3A_848, %get3A_849] {strides = array<i32>} : memref<8x128xi32, #tpu.memory_space<vmem>>, vector<1x16xi32>,
    %get3A_851 = vector.shape_cast %get3A_850 : vector<1x16xi32> to vector<16xi32>
    %add3A_852 = vector.broadcast %mul3A_81 : i32 to vector<16xi32>
    %add3A_853 = arith.addi %get3A_851, %add3A_852 : vector<16xi32>
    %swap3A_854 = arith.constant 7 : i32
    %swap3A_855 = arith.index_cast %swap3A_854 : i32 to index
    %swap3A_856 = arith.constant 48 : index
    %swap3A_857 = tpu.vector_load %arg7[%swap3A_855, %swap3A_856] {strides = array<i32>} : memref<8x128xi32, #tpu.memory_space<vmem>>, vector<1x16xi32>,
    %swap3A_858 = vector.shape_cast %swap3A_857 : vector<1x16xi32> to vector<16xi32>
    %swap3A_859 = vector.shape_cast %add3A_853 : vector<16xi32> to vector<1x16xi32>
    tpu.vector_store %arg7[%swap3A_855, %swap3A_856], %swap3A_859 {strides = array<i32>} : memref<8x128xi32, #tpu.memory_space<vmem>>, vector<1x16xi32>,
    %get3A_860 = arith.constant 7 : i32
    %get3A_861 = arith.index_cast %get3A_860 : i32 to index
    %get3A_862 = arith.constant 64 : index
    %get3A_863 = tpu.vector_load %arg7[%get3A_861, %get3A_862] {strides = array<i32>} : memref<8x128xi32, #tpu.memory_space<vmem>>, vector<1x16xi32>,
    %get3A_864 = vector.shape_cast %get3A_863 : vector<1x16xi32> to vector<16xi32>
    %add3A_865 = vector.broadcast %mul3A_81 : i32 to vector<16xi32>
    %add3A_866 = arith.addi %get3A_864, %add3A_865 : vector<16xi32>
    %swap3A_867 = arith.constant 7 : i32
    %swap3A_868 = arith.index_cast %swap3A_867 : i32 to index
    %swap3A_869 = arith.constant 64 : index
    %swap3A_870 = tpu.vector_load %arg7[%swap3A_868, %swap3A_869] {strides = array<i32>} : memref<8x128xi32, #tpu.memory_space<vmem>>, vector<1x16xi32>,
    %swap3A_871 = vector.shape_cast %swap3A_870 : vector<1x16xi32> to vector<16xi32>
    %swap3A_872 = vector.shape_cast %add3A_866 : vector<16xi32> to vector<1x16xi32>
    tpu.vector_store %arg7[%swap3A_868, %swap3A_869], %swap3A_872 {strides = array<i32>} : memref<8x128xi32, #tpu.memory_space<vmem>>, vector<1x16xi32>,
    %get3A_873 = arith.constant 7 : i32
    %get3A_874 = arith.index_cast %get3A_873 : i32 to index
    %get3A_875 = arith.constant 80 : index
    %get3A_876 = tpu.vector_load %arg7[%get3A_874, %get3A_875] {strides = array<i32>} : memref<8x128xi32, #tpu.memory_space<vmem>>, vector<1x16xi32>,
    %get3A_877 = vector.shape_cast %get3A_876 : vector<1x16xi32> to vector<16xi32>
    %add3A_878 = vector.broadcast %mul3A_81 : i32 to vector<16xi32>
    %add3A_879 = arith.addi %get3A_877, %add3A_878 : vector<16xi32>
    %swap3A_880 = arith.constant 7 : i32
    %swap3A_881 = arith.index_cast %swap3A_880 : i32 to index
    %swap3A_882 = arith.constant 80 : index
    %swap3A_883 = tpu.vector_load %arg7[%swap3A_881, %swap3A_882] {strides = array<i32>} : memref<8x128xi32, #tpu.memory_space<vmem>>, vector<1x16xi32>,
    %swap3A_884 = vector.shape_cast %swap3A_883 : vector<1x16xi32> to vector<16xi32>
    %swap3A_885 = vector.shape_cast %add3A_879 : vector<16xi32> to vector<1x16xi32>
    tpu.vector_store %arg7[%swap3A_881, %swap3A_882], %swap3A_885 {strides = array<i32>} : memref<8x128xi32, #tpu.memory_space<vmem>>, vector<1x16xi32>,
    %get3A_886 = arith.constant 7 : i32
    %get3A_887 = arith.index_cast %get3A_886 : i32 to index
    %get3A_888 = arith.constant 96 : index
    %get3A_889 = tpu.vector_load %arg7[%get3A_887, %get3A_888] {strides = array<i32>} : memref<8x128xi32, #tpu.memory_space<vmem>>, vector<1x16xi32>,
    %get3A_890 = vector.shape_cast %get3A_889 : vector<1x16xi32> to vector<16xi32>
    %add3A_891 = vector.broadcast %mul3A_81 : i32 to vector<16xi32>
    %add3A_892 = arith.addi %get3A_890, %add3A_891 : vector<16xi32>
    %swap3A_893 = arith.constant 7 : i32
    %swap3A_894 = arith.index_cast %swap3A_893 : i32 to index
    %swap3A_895 = arith.constant 96 : index
    %swap3A_896 = tpu.vector_load %arg7[%swap3A_894, %swap3A_895] {strides = array<i32>} : memref<8x128xi32, #tpu.memory_space<vmem>>, vector<1x16xi32>,
    %swap3A_897 = vector.shape_cast %swap3A_896 : vector<1x16xi32> to vector<16xi32>
    %swap3A_898 = vector.shape_cast %add3A_892 : vector<16xi32> to vector<1x16xi32>
    tpu.vector_store %arg7[%swap3A_894, %swap3A_895], %swap3A_898 {strides = array<i32>} : memref<8x128xi32, #tpu.memory_space<vmem>>, vector<1x16xi32>,
    %get3A_899 = arith.constant 7 : i32
    %get3A_900 = arith.index_cast %get3A_899 : i32 to index
    %get3A_901 = arith.constant 112 : index
    %get3A_902 = tpu.vector_load %arg7[%get3A_900, %get3A_901] {strides = array<i32>} : memref<8x128xi32, #tpu.memory_space<vmem>>, vector<1x16xi32>,
    %get3A_903 = vector.shape_cast %get3A_902 : vector<1x16xi32> to vector<16xi32>
    %add3A_904 = vector.broadcast %mul3A_81 : i32 to vector<16xi32>
    %add3A_905 = arith.addi %get3A_903, %add3A_904 : vector<16xi32>
    %swap3A_906 = arith.constant 7 : i32
    %swap3A_907 = arith.index_cast %swap3A_906 : i32 to index
    %swap3A_908 = arith.constant 112 : index
    %swap3A_909 = tpu.vector_load %arg7[%swap3A_907, %swap3A_908] {strides = array<i32>} : memref<8x128xi32, #tpu.memory_space<vmem>>, vector<1x16xi32>,
    %swap3A_910 = vector.shape_cast %swap3A_909 : vector<1x16xi32> to vector<16xi32>
    %swap3A_911 = vector.shape_cast %add3A_905 : vector<16xi32> to vector<1x16xi32>
    tpu.vector_store %arg7[%swap3A_907, %swap3A_908], %swap3A_911 {strides = array<i32>} : memref<8x128xi32, #tpu.memory_space<vmem>>, vector<1x16xi32>,
    %mul3A_912 = arith.constant 256 : i32
    %mul3A_913 = arith.muli %arg1, %mul3A_912 : i32
    %add3A_914 = arith.constant 0 : i32
    %add3A_915 = arith.addi %mul3A_913, %add3A_914 : i32
    "tpu.region"() ({
      %run_scoped3A_1019 = tpu.sem_alloc : memref<!tpu.dma_semaphore, #tpu.memory_space<semaphore_mem>>
      %dma_start3A_1020 = arith.constant 0 : i32
      %dma_start3A_1021 = tpu.memref_slice %arg13[%add3A_915, %dma_start3A_1020] : memref<4096x128xf32, #tpu.memory_space<vmem_shared>> -> memref<128x128xf32, #tpu.memory_space<vmem_shared>>
      %dma_start3A_1022 = arith.constant 0 : i32
      %dma_start3A_1023 = tpu.memref_slice %arg13[%add3A_915, %dma_start3A_1022] : memref<4096x128xf32, #tpu.memory_space<vmem_shared>> -> memref<128x128xf32, #tpu.memory_space<vmem_shared>>
      tpu.enqueue_dma source(%arg12 : memref<128x128xf32, #tpu.memory_space<vmem>>) target(%dma_start3A_1023 : memref<128x128xf32, #tpu.memory_space<vmem_shared>>) target_semaphore(%run_scoped3A_1019 : memref<!tpu.dma_semaphore, #tpu.memory_space<semaphore_mem>>)
      %dma_wait3A_1024 = arith.constant 0 : i32
      %dma_wait3A_1025 = tpu.memref_slice %arg13[%add3A_915, %dma_wait3A_1024] : memref<4096x128xf32, #tpu.memory_space<vmem_shared>> -> memref<128x128xf32, #tpu.memory_space<vmem_shared>>
      %dma_wait3A_1026 = arith.constant 0 : i32
      %dma_wait3A_1027 = tpu.memref_slice %arg13[%add3A_915, %dma_wait3A_1026] : memref<4096x128xf32, #tpu.memory_space<vmem_shared>> -> memref<128x128xf32, #tpu.memory_space<vmem_shared>>
      tpu.wait_dma2 semaphore(%run_scoped3A_1019 : memref<!tpu.dma_semaphore, #tpu.memory_space<semaphore_mem>>) src(%arg12 : memref<128x128xf32, #tpu.memory_space<vmem>>) dst(%dma_wait3A_1027 : memref<128x128xf32, #tpu.memory_space<vmem_shared>>)
      tpu.yield
    }) : () -> ()
    %mul3A_916 = arith.constant 256 : i32
    %mul3A_917 = arith.muli %arg1, %mul3A_916 : i32
    %add3A_918 = arith.constant 128 : i32
    %add3A_919 = arith.addi %mul3A_917, %add3A_918 : i32
    "tpu.region"() ({
      %run_scoped3A_1019 = tpu.sem_alloc : memref<!tpu.dma_semaphore, #tpu.memory_space<semaphore_mem>>
      %dma_start3A_1020 = arith.constant 0 : i32
      %dma_start3A_1021 = tpu.memref_slice %arg13[%add3A_919, %dma_start3A_1020] : memref<4096x128xf32, #tpu.memory_space<vmem_shared>> -> memref<128x128xf32, #tpu.memory_space<vmem_shared>>
      %dma_start3A_1022 = arith.constant 0 : i32
      %dma_start3A_1023 = tpu.memref_slice %arg13[%add3A_919, %dma_start3A_1022] : memref<4096x128xf32, #tpu.memory_space<vmem_shared>> -> memref<128x128xf32, #tpu.memory_space<vmem_shared>>
      tpu.enqueue_dma source(%arg12 : memref<128x128xf32, #tpu.memory_space<vmem>>) target(%dma_start3A_1023 : memref<128x128xf32, #tpu.memory_space<vmem_shared>>) target_semaphore(%run_scoped3A_1019 : memref<!tpu.dma_semaphore, #tpu.memory_space<semaphore_mem>>)
      %dma_wait3A_1024 = arith.constant 0 : i32
      %dma_wait3A_1025 = tpu.memref_slice %arg13[%add3A_919, %dma_wait3A_1024] : memref<4096x128xf32, #tpu.memory_space<vmem_shared>> -> memref<128x128xf32, #tpu.memory_space<vmem_shared>>
      %dma_wait3A_1026 = arith.constant 0 : i32
      %dma_wait3A_1027 = tpu.memref_slice %arg13[%add3A_919, %dma_wait3A_1026] : memref<4096x128xf32, #tpu.memory_space<vmem_shared>> -> memref<128x128xf32, #tpu.memory_space<vmem_shared>>
      tpu.wait_dma2 semaphore(%run_scoped3A_1019 : memref<!tpu.dma_semaphore, #tpu.memory_space<semaphore_mem>>) src(%arg12 : memref<128x128xf32, #tpu.memory_space<vmem>>) dst(%dma_wait3A_1027 : memref<128x128xf32, #tpu.memory_space<vmem_shared>>)
      tpu.yield
    }) : () -> ()
    %barrier3A = arith.constant 0 : index
    tpu.barrier barrier_id(%barrier3A)
    %dma_wait3A_920 = arith.constant 0 : i32
    %dma_wait3A_921 = arith.constant 0 : i32
    %dma_wait3A_922 = tpu.memref_slice %arg6[%dma_wait3A_920, %dma_wait3A_921] : memref<8x128xi32, #tpu.memory_space<vmem>> -> memref<1x128xi32, #tpu.memory_space<vmem>>
    %dma_wait3A_923 = tpu.memref_squeeze %dma_wait3A_922 : memref<1x128xi32, #tpu.memory_space<vmem>> -> memref<128xi32, #tpu.memory_space<vmem>>
    %dma_wait3A_924 = arith.constant 0 : i32
    %dma_wait3A_925 = arith.constant 0 : i32
    %dma_wait3A_926 = tpu.memref_slice %arg4[%dma_wait3A_924, %dma_wait3A_925] : memref<384x128xf32, #tpu.memory_space<hbm>> -> memref<384x128xf32, #tpu.memory_space<hbm>>
    tpu.wait_indirect_dma semaphore(%arg14 : memref<!tpu.dma_semaphore, #tpu.memory_space<semaphore_mem>>) src(%dma_wait3A_926 : memref<384x128xf32, #tpu.memory_space<hbm>>) dst(%arg8 : memref<128x128xf32, #tpu.memory_space<vmem>>)
    %run_scoped3A = arith.constant 0 : i32
    "tpu.region"() ({
      %run_scoped3A_1019 = tpu.sem_alloc : memref<!tpu.dma_semaphore, #tpu.memory_space<semaphore_mem>>
      %dma_start3A_1020 = arith.constant 0 : i32
      %dma_start3A_1021 = tpu.memref_slice %arg7[%run_scoped3A, %dma_start3A_1020] : memref<8x128xi32, #tpu.memory_space<vmem>> -> memref<1x128xi32, #tpu.memory_space<vmem>>
      %dma_start3A_1022 = tpu.memref_squeeze %dma_start3A_1021 : memref<1x128xi32, #tpu.memory_space<vmem>> -> memref<128xi32, #tpu.memory_space<vmem>>
      %dma_start3A_1023 = arith.constant 0 : i32
      %dma_start3A_1024 = arith.constant 0 : i32
      %dma_start3A_1025 = tpu.memref_slice %arg13[%dma_start3A_1023, %dma_start3A_1024] : memref<4096x128xf32, #tpu.memory_space<vmem_shared>> -> memref<4096x128xf32, #tpu.memory_space<vmem_shared>>
      tpu.enqueue_indirect_dma source(%arg8 : memref<128x128xf32, #tpu.memory_space<vmem>>) target(%dma_start3A_1025 : memref<4096x128xf32, #tpu.memory_space<vmem_shared>>) offsets(%dma_start3A_1022 : memref<128xi32, #tpu.memory_space<vmem>>) semaphore(%run_scoped3A_1019 : memref<!tpu.dma_semaphore, #tpu.memory_space<semaphore_mem>>) {add = true}
      %dma_wait3A_1026 = arith.constant 0 : i32
      %dma_wait3A_1027 = tpu.memref_slice %arg7[%run_scoped3A, %dma_wait3A_1026] : memref<8x128xi32, #tpu.memory_space<vmem>> -> memref<1x128xi32, #tpu.memory_space<vmem>>
      %dma_wait3A_1028 = tpu.memref_squeeze %dma_wait3A_1027 : memref<1x128xi32, #tpu.memory_space<vmem>> -> memref<128xi32, #tpu.memory_space<vmem>>
      %dma_wait3A_1029 = arith.constant 0 : i32
      %dma_wait3A_1030 = arith.constant 0 : i32
      %dma_wait3A_1031 = tpu.memref_slice %arg13[%dma_wait3A_1029, %dma_wait3A_1030] : memref<4096x128xf32, #tpu.memory_space<vmem_shared>> -> memref<4096x128xf32, #tpu.memory_space<vmem_shared>>
      tpu.wait_indirect_dma semaphore(%run_scoped3A_1019 : memref<!tpu.dma_semaphore, #tpu.memory_space<semaphore_mem>>) src(%arg8 : memref<128x128xf32, #tpu.memory_space<vmem>>) dst(%dma_wait3A_1031 : memref<4096x128xf32, #tpu.memory_space<vmem_shared>>)
      tpu.yield
    }) : () -> ()
    %dma_start3A_927 = arith.constant 4 : i32
    %dma_start3A_928 = arith.constant 0 : i32
    %dma_start3A_929 = tpu.memref_slice %arg6[%dma_start3A_927, %dma_start3A_928] : memref<8x128xi32, #tpu.memory_space<vmem>> -> memref<1x128xi32, #tpu.memory_space<vmem>>
    %dma_start3A_930 = tpu.memref_squeeze %dma_start3A_929 : memref<1x128xi32, #tpu.memory_space<vmem>> -> memref<128xi32, #tpu.memory_space<vmem>>
    %dma_start3A_931 = arith.constant 0 : i32
    %dma_start3A_932 = arith.constant 0 : i32
    %dma_start3A_933 = tpu.memref_slice %arg4[%dma_start3A_931, %dma_start3A_932] : memref<384x128xf32, #tpu.memory_space<hbm>> -> memref<384x128xf32, #tpu.memory_space<hbm>>
    tpu.enqueue_indirect_dma source(%dma_start3A_933 : memref<384x128xf32, #tpu.memory_space<hbm>>) target(%arg8 : memref<128x128xf32, #tpu.memory_space<vmem>>) offsets(%dma_start3A_930 : memref<128xi32, #tpu.memory_space<vmem>>) semaphore(%arg14 : memref<!tpu.dma_semaphore, #tpu.memory_space<semaphore_mem>>)
    %dma_wait3A_934 = arith.constant 1 : i32
    %dma_wait3A_935 = arith.constant 0 : i32
    %dma_wait3A_936 = tpu.memref_slice %arg6[%dma_wait3A_934, %dma_wait3A_935] : memref<8x128xi32, #tpu.memory_space<vmem>> -> memref<1x128xi32, #tpu.memory_space<vmem>>
    %dma_wait3A_937 = tpu.memref_squeeze %dma_wait3A_936 : memref<1x128xi32, #tpu.memory_space<vmem>> -> memref<128xi32, #tpu.memory_space<vmem>>
    %dma_wait3A_938 = arith.constant 0 : i32
    %dma_wait3A_939 = arith.constant 0 : i32
    %dma_wait3A_940 = tpu.memref_slice %arg4[%dma_wait3A_938, %dma_wait3A_939] : memref<384x128xf32, #tpu.memory_space<hbm>> -> memref<384x128xf32, #tpu.memory_space<hbm>>
    tpu.wait_indirect_dma semaphore(%arg15 : memref<!tpu.dma_semaphore, #tpu.memory_space<semaphore_mem>>) src(%dma_wait3A_940 : memref<384x128xf32, #tpu.memory_space<hbm>>) dst(%arg9 : memref<128x128xf32, #tpu.memory_space<vmem>>)
    %run_scoped3A_941 = arith.constant 1 : i32
    "tpu.region"() ({
      %run_scoped3A_1019 = tpu.sem_alloc : memref<!tpu.dma_semaphore, #tpu.memory_space<semaphore_mem>>
      %dma_start3A_1020 = arith.constant 0 : i32
      %dma_start3A_1021 = tpu.memref_slice %arg7[%run_scoped3A_941, %dma_start3A_1020] : memref<8x128xi32, #tpu.memory_space<vmem>> -> memref<1x128xi32, #tpu.memory_space<vmem>>
      %dma_start3A_1022 = tpu.memref_squeeze %dma_start3A_1021 : memref<1x128xi32, #tpu.memory_space<vmem>> -> memref<128xi32, #tpu.memory_space<vmem>>
      %dma_start3A_1023 = arith.constant 0 : i32
      %dma_start3A_1024 = arith.constant 0 : i32
      %dma_start3A_1025 = tpu.memref_slice %arg13[%dma_start3A_1023, %dma_start3A_1024] : memref<4096x128xf32, #tpu.memory_space<vmem_shared>> -> memref<4096x128xf32, #tpu.memory_space<vmem_shared>>
      tpu.enqueue_indirect_dma source(%arg9 : memref<128x128xf32, #tpu.memory_space<vmem>>) target(%dma_start3A_1025 : memref<4096x128xf32, #tpu.memory_space<vmem_shared>>) offsets(%dma_start3A_1022 : memref<128xi32, #tpu.memory_space<vmem>>) semaphore(%run_scoped3A_1019 : memref<!tpu.dma_semaphore, #tpu.memory_space<semaphore_mem>>) {add = true}
      %dma_wait3A_1026 = arith.constant 0 : i32
      %dma_wait3A_1027 = tpu.memref_slice %arg7[%run_scoped3A_941, %dma_wait3A_1026] : memref<8x128xi32, #tpu.memory_space<vmem>> -> memref<1x128xi32, #tpu.memory_space<vmem>>
      %dma_wait3A_1028 = tpu.memref_squeeze %dma_wait3A_1027 : memref<1x128xi32, #tpu.memory_space<vmem>> -> memref<128xi32, #tpu.memory_space<vmem>>
      %dma_wait3A_1029 = arith.constant 0 : i32
      %dma_wait3A_1030 = arith.constant 0 : i32
      %dma_wait3A_1031 = tpu.memref_slice %arg13[%dma_wait3A_1029, %dma_wait3A_1030] : memref<4096x128xf32, #tpu.memory_space<vmem_shared>> -> memref<4096x128xf32, #tpu.memory_space<vmem_shared>>
      tpu.wait_indirect_dma semaphore(%run_scoped3A_1019 : memref<!tpu.dma_semaphore, #tpu.memory_space<semaphore_mem>>) src(%arg9 : memref<128x128xf32, #tpu.memory_space<vmem>>) dst(%dma_wait3A_1031 : memref<4096x128xf32, #tpu.memory_space<vmem_shared>>)
      tpu.yield
    }) : () -> ()
    %dma_start3A_942 = arith.constant 5 : i32
    %dma_start3A_943 = arith.constant 0 : i32
    %dma_start3A_944 = tpu.memref_slice %arg6[%dma_start3A_942, %dma_start3A_943] : memref<8x128xi32, #tpu.memory_space<vmem>> -> memref<1x128xi32, #tpu.memory_space<vmem>>
    %dma_start3A_945 = tpu.memref_squeeze %dma_start3A_944 : memref<1x128xi32, #tpu.memory_space<vmem>> -> memref<128xi32, #tpu.memory_space<vmem>>
    %dma_start3A_946 = arith.constant 0 : i32
    %dma_start3A_947 = arith.constant 0 : i32
    %dma_start3A_948 = tpu.memref_slice %arg4[%dma_start3A_946, %dma_start3A_947] : memref<384x128xf32, #tpu.memory_space<hbm>> -> memref<384x128xf32, #tpu.memory_space<hbm>>
    tpu.enqueue_indirect_dma source(%dma_start3A_948 : memref<384x128xf32, #tpu.memory_space<hbm>>) target(%arg9 : memref<128x128xf32, #tpu.memory_space<vmem>>) offsets(%dma_start3A_945 : memref<128xi32, #tpu.memory_space<vmem>>) semaphore(%arg15 : memref<!tpu.dma_semaphore, #tpu.memory_space<semaphore_mem>>)
    %dma_wait3A_949 = arith.constant 2 : i32
    %dma_wait3A_950 = arith.constant 0 : i32
    %dma_wait3A_951 = tpu.memref_slice %arg6[%dma_wait3A_949, %dma_wait3A_950] : memref<8x128xi32, #tpu.memory_space<vmem>> -> memref<1x128xi32, #tpu.memory_space<vmem>>
    %dma_wait3A_952 = tpu.memref_squeeze %dma_wait3A_951 : memref<1x128xi32, #tpu.memory_space<vmem>> -> memref<128xi32, #tpu.memory_space<vmem>>
    %dma_wait3A_953 = arith.constant 0 : i32
    %dma_wait3A_954 = arith.constant 0 : i32
    %dma_wait3A_955 = tpu.memref_slice %arg4[%dma_wait3A_953, %dma_wait3A_954] : memref<384x128xf32, #tpu.memory_space<hbm>> -> memref<384x128xf32, #tpu.memory_space<hbm>>
    tpu.wait_indirect_dma semaphore(%arg16 : memref<!tpu.dma_semaphore, #tpu.memory_space<semaphore_mem>>) src(%dma_wait3A_955 : memref<384x128xf32, #tpu.memory_space<hbm>>) dst(%arg10 : memref<128x128xf32, #tpu.memory_space<vmem>>)
    %run_scoped3A_956 = arith.constant 2 : i32
    "tpu.region"() ({
      %run_scoped3A_1019 = tpu.sem_alloc : memref<!tpu.dma_semaphore, #tpu.memory_space<semaphore_mem>>
      %dma_start3A_1020 = arith.constant 0 : i32
      %dma_start3A_1021 = tpu.memref_slice %arg7[%run_scoped3A_956, %dma_start3A_1020] : memref<8x128xi32, #tpu.memory_space<vmem>> -> memref<1x128xi32, #tpu.memory_space<vmem>>
      %dma_start3A_1022 = tpu.memref_squeeze %dma_start3A_1021 : memref<1x128xi32, #tpu.memory_space<vmem>> -> memref<128xi32, #tpu.memory_space<vmem>>
      %dma_start3A_1023 = arith.constant 0 : i32
      %dma_start3A_1024 = arith.constant 0 : i32
      %dma_start3A_1025 = tpu.memref_slice %arg13[%dma_start3A_1023, %dma_start3A_1024] : memref<4096x128xf32, #tpu.memory_space<vmem_shared>> -> memref<4096x128xf32, #tpu.memory_space<vmem_shared>>
      tpu.enqueue_indirect_dma source(%arg10 : memref<128x128xf32, #tpu.memory_space<vmem>>) target(%dma_start3A_1025 : memref<4096x128xf32, #tpu.memory_space<vmem_shared>>) offsets(%dma_start3A_1022 : memref<128xi32, #tpu.memory_space<vmem>>) semaphore(%run_scoped3A_1019 : memref<!tpu.dma_semaphore, #tpu.memory_space<semaphore_mem>>) {add = true}
      %dma_wait3A_1026 = arith.constant 0 : i32
      %dma_wait3A_1027 = tpu.memref_slice %arg7[%run_scoped3A_956, %dma_wait3A_1026] : memref<8x128xi32, #tpu.memory_space<vmem>> -> memref<1x128xi32, #tpu.memory_space<vmem>>
      %dma_wait3A_1028 = tpu.memref_squeeze %dma_wait3A_1027 : memref<1x128xi32, #tpu.memory_space<vmem>> -> memref<128xi32, #tpu.memory_space<vmem>>
      %dma_wait3A_1029 = arith.constant 0 : i32
      %dma_wait3A_1030 = arith.constant 0 : i32
      %dma_wait3A_1031 = tpu.memref_slice %arg13[%dma_wait3A_1029, %dma_wait3A_1030] : memref<4096x128xf32, #tpu.memory_space<vmem_shared>> -> memref<4096x128xf32, #tpu.memory_space<vmem_shared>>
      tpu.wait_indirect_dma semaphore(%run_scoped3A_1019 : memref<!tpu.dma_semaphore, #tpu.memory_space<semaphore_mem>>) src(%arg10 : memref<128x128xf32, #tpu.memory_space<vmem>>) dst(%dma_wait3A_1031 : memref<4096x128xf32, #tpu.memory_space<vmem_shared>>)
      tpu.yield
    }) : () -> ()
    %dma_start3A_957 = arith.constant 6 : i32
    %dma_start3A_958 = arith.constant 0 : i32
    %dma_start3A_959 = tpu.memref_slice %arg6[%dma_start3A_957, %dma_start3A_958] : memref<8x128xi32, #tpu.memory_space<vmem>> -> memref<1x128xi32, #tpu.memory_space<vmem>>
    %dma_start3A_960 = tpu.memref_squeeze %dma_start3A_959 : memref<1x128xi32, #tpu.memory_space<vmem>> -> memref<128xi32, #tpu.memory_space<vmem>>
    %dma_start3A_961 = arith.constant 0 : i32
    %dma_start3A_962 = arith.constant 0 : i32
    %dma_start3A_963 = tpu.memref_slice %arg4[%dma_start3A_961, %dma_start3A_962] : memref<384x128xf32, #tpu.memory_space<hbm>> -> memref<384x128xf32, #tpu.memory_space<hbm>>
    tpu.enqueue_indirect_dma source(%dma_start3A_963 : memref<384x128xf32, #tpu.memory_space<hbm>>) target(%arg10 : memref<128x128xf32, #tpu.memory_space<vmem>>) offsets(%dma_start3A_960 : memref<128xi32, #tpu.memory_space<vmem>>) semaphore(%arg16 : memref<!tpu.dma_semaphore, #tpu.memory_space<semaphore_mem>>)
    %dma_wait3A_964 = arith.constant 3 : i32
    %dma_wait3A_965 = arith.constant 0 : i32
    %dma_wait3A_966 = tpu.memref_slice %arg6[%dma_wait3A_964, %dma_wait3A_965] : memref<8x128xi32, #tpu.memory_space<vmem>> -> memref<1x128xi32, #tpu.memory_space<vmem>>
    %dma_wait3A_967 = tpu.memref_squeeze %dma_wait3A_966 : memref<1x128xi32, #tpu.memory_space<vmem>> -> memref<128xi32, #tpu.memory_space<vmem>>
    %dma_wait3A_968 = arith.constant 0 : i32
    %dma_wait3A_969 = arith.constant 0 : i32
    %dma_wait3A_970 = tpu.memref_slice %arg4[%dma_wait3A_968, %dma_wait3A_969] : memref<384x128xf32, #tpu.memory_space<hbm>> -> memref<384x128xf32, #tpu.memory_space<hbm>>
    tpu.wait_indirect_dma semaphore(%arg17 : memref<!tpu.dma_semaphore, #tpu.memory_space<semaphore_mem>>) src(%dma_wait3A_970 : memref<384x128xf32, #tpu.memory_space<hbm>>) dst(%arg11 : memref<128x128xf32, #tpu.memory_space<vmem>>)
    %run_scoped3A_971 = arith.constant 3 : i32
    "tpu.region"() ({
      %run_scoped3A_1019 = tpu.sem_alloc : memref<!tpu.dma_semaphore, #tpu.memory_space<semaphore_mem>>
      %dma_start3A_1020 = arith.constant 0 : i32
      %dma_start3A_1021 = tpu.memref_slice %arg7[%run_scoped3A_971, %dma_start3A_1020] : memref<8x128xi32, #tpu.memory_space<vmem>> -> memref<1x128xi32, #tpu.memory_space<vmem>>
      %dma_start3A_1022 = tpu.memref_squeeze %dma_start3A_1021 : memref<1x128xi32, #tpu.memory_space<vmem>> -> memref<128xi32, #tpu.memory_space<vmem>>
      %dma_start3A_1023 = arith.constant 0 : i32
      %dma_start3A_1024 = arith.constant 0 : i32
      %dma_start3A_1025 = tpu.memref_slice %arg13[%dma_start3A_1023, %dma_start3A_1024] : memref<4096x128xf32, #tpu.memory_space<vmem_shared>> -> memref<4096x128xf32, #tpu.memory_space<vmem_shared>>
      tpu.enqueue_indirect_dma source(%arg11 : memref<128x128xf32, #tpu.memory_space<vmem>>) target(%dma_start3A_1025 : memref<4096x128xf32, #tpu.memory_space<vmem_shared>>) offsets(%dma_start3A_1022 : memref<128xi32, #tpu.memory_space<vmem>>) semaphore(%run_scoped3A_1019 : memref<!tpu.dma_semaphore, #tpu.memory_space<semaphore_mem>>) {add = true}
      %dma_wait3A_1026 = arith.constant 0 : i32
      %dma_wait3A_1027 = tpu.memref_slice %arg7[%run_scoped3A_971, %dma_wait3A_1026] : memref<8x128xi32, #tpu.memory_space<vmem>> -> memref<1x128xi32, #tpu.memory_space<vmem>>
      %dma_wait3A_1028 = tpu.memref_squeeze %dma_wait3A_1027 : memref<1x128xi32, #tpu.memory_space<vmem>> -> memref<128xi32, #tpu.memory_space<vmem>>
      %dma_wait3A_1029 = arith.constant 0 : i32
      %dma_wait3A_1030 = arith.constant 0 : i32
      %dma_wait3A_1031 = tpu.memref_slice %arg13[%dma_wait3A_1029, %dma_wait3A_1030] : memref<4096x128xf32, #tpu.memory_space<vmem_shared>> -> memref<4096x128xf32, #tpu.memory_space<vmem_shared>>
      tpu.wait_indirect_dma semaphore(%run_scoped3A_1019 : memref<!tpu.dma_semaphore, #tpu.memory_space<semaphore_mem>>) src(%arg11 : memref<128x128xf32, #tpu.memory_space<vmem>>) dst(%dma_wait3A_1031 : memref<4096x128xf32, #tpu.memory_space<vmem_shared>>)
      tpu.yield
    }) : () -> ()
    %dma_start3A_972 = arith.constant 7 : i32
    %dma_start3A_973 = arith.constant 0 : i32
    %dma_start3A_974 = tpu.memref_slice %arg6[%dma_start3A_972, %dma_start3A_973] : memref<8x128xi32, #tpu.memory_space<vmem>> -> memref<1x128xi32, #tpu.memory_space<vmem>>
    %dma_start3A_975 = tpu.memref_squeeze %dma_start3A_974 : memref<1x128xi32, #tpu.memory_space<vmem>> -> memref<128xi32, #tpu.memory_space<vmem>>
    %dma_start3A_976 = arith.constant 0 : i32
    %dma_start3A_977 = arith.constant 0 : i32
    %dma_start3A_978 = tpu.memref_slice %arg4[%dma_start3A_976, %dma_start3A_977] : memref<384x128xf32, #tpu.memory_space<hbm>> -> memref<384x128xf32, #tpu.memory_space<hbm>>
    tpu.enqueue_indirect_dma source(%dma_start3A_978 : memref<384x128xf32, #tpu.memory_space<hbm>>) target(%arg11 : memref<128x128xf32, #tpu.memory_space<vmem>>) offsets(%dma_start3A_975 : memref<128xi32, #tpu.memory_space<vmem>>) semaphore(%arg17 : memref<!tpu.dma_semaphore, #tpu.memory_space<semaphore_mem>>)
    %dma_wait3A_979 = arith.constant 4 : i32
    %dma_wait3A_980 = arith.constant 0 : i32
    %dma_wait3A_981 = tpu.memref_slice %arg6[%dma_wait3A_979, %dma_wait3A_980] : memref<8x128xi32, #tpu.memory_space<vmem>> -> memref<1x128xi32, #tpu.memory_space<vmem>>
    %dma_wait3A_982 = tpu.memref_squeeze %dma_wait3A_981 : memref<1x128xi32, #tpu.memory_space<vmem>> -> memref<128xi32, #tpu.memory_space<vmem>>
    %dma_wait3A_983 = arith.constant 0 : i32
    %dma_wait3A_984 = arith.constant 0 : i32
    %dma_wait3A_985 = tpu.memref_slice %arg4[%dma_wait3A_983, %dma_wait3A_984] : memref<384x128xf32, #tpu.memory_space<hbm>> -> memref<384x128xf32, #tpu.memory_space<hbm>>
    tpu.wait_indirect_dma semaphore(%arg14 : memref<!tpu.dma_semaphore, #tpu.memory_space<semaphore_mem>>) src(%dma_wait3A_985 : memref<384x128xf32, #tpu.memory_space<hbm>>) dst(%arg8 : memref<128x128xf32, #tpu.memory_space<vmem>>)
    %run_scoped3A_986 = arith.constant 4 : i32
    "tpu.region"() ({
      %run_scoped3A_1019 = tpu.sem_alloc : memref<!tpu.dma_semaphore, #tpu.memory_space<semaphore_mem>>
      %dma_start3A_1020 = arith.constant 0 : i32
      %dma_start3A_1021 = tpu.memref_slice %arg7[%run_scoped3A_986, %dma_start3A_1020] : memref<8x128xi32, #tpu.memory_space<vmem>> -> memref<1x128xi32, #tpu.memory_space<vmem>>
      %dma_start3A_1022 = tpu.memref_squeeze %dma_start3A_1021 : memref<1x128xi32, #tpu.memory_space<vmem>> -> memref<128xi32, #tpu.memory_space<vmem>>
      %dma_start3A_1023 = arith.constant 0 : i32
      %dma_start3A_1024 = arith.constant 0 : i32
      %dma_start3A_1025 = tpu.memref_slice %arg13[%dma_start3A_1023, %dma_start3A_1024] : memref<4096x128xf32, #tpu.memory_space<vmem_shared>> -> memref<4096x128xf32, #tpu.memory_space<vmem_shared>>
      tpu.enqueue_indirect_dma source(%arg8 : memref<128x128xf32, #tpu.memory_space<vmem>>) target(%dma_start3A_1025 : memref<4096x128xf32, #tpu.memory_space<vmem_shared>>) offsets(%dma_start3A_1022 : memref<128xi32, #tpu.memory_space<vmem>>) semaphore(%run_scoped3A_1019 : memref<!tpu.dma_semaphore, #tpu.memory_space<semaphore_mem>>) {add = true}
      %dma_wait3A_1026 = arith.constant 0 : i32
      %dma_wait3A_1027 = tpu.memref_slice %arg7[%run_scoped3A_986, %dma_wait3A_1026] : memref<8x128xi32, #tpu.memory_space<vmem>> -> memref<1x128xi32, #tpu.memory_space<vmem>>
      %dma_wait3A_1028 = tpu.memref_squeeze %dma_wait3A_1027 : memref<1x128xi32, #tpu.memory_space<vmem>> -> memref<128xi32, #tpu.memory_space<vmem>>
      %dma_wait3A_1029 = arith.constant 0 : i32
      %dma_wait3A_1030 = arith.constant 0 : i32
      %dma_wait3A_1031 = tpu.memref_slice %arg13[%dma_wait3A_1029, %dma_wait3A_1030] : memref<4096x128xf32, #tpu.memory_space<vmem_shared>> -> memref<4096x128xf32, #tpu.memory_space<vmem_shared>>
      tpu.wait_indirect_dma semaphore(%run_scoped3A_1019 : memref<!tpu.dma_semaphore, #tpu.memory_space<semaphore_mem>>) src(%arg8 : memref<128x128xf32, #tpu.memory_space<vmem>>) dst(%dma_wait3A_1031 : memref<4096x128xf32, #tpu.memory_space<vmem_shared>>)
      tpu.yield
    }) : () -> ()
    %dma_wait3A_987 = arith.constant 5 : i32
    %dma_wait3A_988 = arith.constant 0 : i32
    %dma_wait3A_989 = tpu.memref_slice %arg6[%dma_wait3A_987, %dma_wait3A_988] : memref<8x128xi32, #tpu.memory_space<vmem>> -> memref<1x128xi32, #tpu.memory_space<vmem>>
    %dma_wait3A_990 = tpu.memref_squeeze %dma_wait3A_989 : memref<1x128xi32, #tpu.memory_space<vmem>> -> memref<128xi32, #tpu.memory_space<vmem>>
    %dma_wait3A_991 = arith.constant 0 : i32
    %dma_wait3A_992 = arith.constant 0 : i32
    %dma_wait3A_993 = tpu.memref_slice %arg4[%dma_wait3A_991, %dma_wait3A_992] : memref<384x128xf32, #tpu.memory_space<hbm>> -> memref<384x128xf32, #tpu.memory_space<hbm>>
    tpu.wait_indirect_dma semaphore(%arg15 : memref<!tpu.dma_semaphore, #tpu.memory_space<semaphore_mem>>) src(%dma_wait3A_993 : memref<384x128xf32, #tpu.memory_space<hbm>>) dst(%arg9 : memref<128x128xf32, #tpu.memory_space<vmem>>)
    %run_scoped3A_994 = arith.constant 5 : i32
    "tpu.region"() ({
      %run_scoped3A_1019 = tpu.sem_alloc : memref<!tpu.dma_semaphore, #tpu.memory_space<semaphore_mem>>
      %dma_start3A_1020 = arith.constant 0 : i32
      %dma_start3A_1021 = tpu.memref_slice %arg7[%run_scoped3A_994, %dma_start3A_1020] : memref<8x128xi32, #tpu.memory_space<vmem>> -> memref<1x128xi32, #tpu.memory_space<vmem>>
      %dma_start3A_1022 = tpu.memref_squeeze %dma_start3A_1021 : memref<1x128xi32, #tpu.memory_space<vmem>> -> memref<128xi32, #tpu.memory_space<vmem>>
      %dma_start3A_1023 = arith.constant 0 : i32
      %dma_start3A_1024 = arith.constant 0 : i32
      %dma_start3A_1025 = tpu.memref_slice %arg13[%dma_start3A_1023, %dma_start3A_1024] : memref<4096x128xf32, #tpu.memory_space<vmem_shared>> -> memref<4096x128xf32, #tpu.memory_space<vmem_shared>>
      tpu.enqueue_indirect_dma source(%arg9 : memref<128x128xf32, #tpu.memory_space<vmem>>) target(%dma_start3A_1025 : memref<4096x128xf32, #tpu.memory_space<vmem_shared>>) offsets(%dma_start3A_1022 : memref<128xi32, #tpu.memory_space<vmem>>) semaphore(%run_scoped3A_1019 : memref<!tpu.dma_semaphore, #tpu.memory_space<semaphore_mem>>) {add = true}
      %dma_wait3A_1026 = arith.constant 0 : i32
      %dma_wait3A_1027 = tpu.memref_slice %arg7[%run_scoped3A_994, %dma_wait3A_1026] : memref<8x128xi32, #tpu.memory_space<vmem>> -> memref<1x128xi32, #tpu.memory_space<vmem>>
      %dma_wait3A_1028 = tpu.memref_squeeze %dma_wait3A_1027 : memref<1x128xi32, #tpu.memory_space<vmem>> -> memref<128xi32, #tpu.memory_space<vmem>>
      %dma_wait3A_1029 = arith.constant 0 : i32
      %dma_wait3A_1030 = arith.constant 0 : i32
      %dma_wait3A_1031 = tpu.memref_slice %arg13[%dma_wait3A_1029, %dma_wait3A_1030] : memref<4096x128xf32, #tpu.memory_space<vmem_shared>> -> memref<4096x128xf32, #tpu.memory_space<vmem_shared>>
      tpu.wait_indirect_dma semaphore(%run_scoped3A_1019 : memref<!tpu.dma_semaphore, #tpu.memory_space<semaphore_mem>>) src(%arg9 : memref<128x128xf32, #tpu.memory_space<vmem>>) dst(%dma_wait3A_1031 : memref<4096x128xf32, #tpu.memory_space<vmem_shared>>)
      tpu.yield
    }) : () -> ()
    %dma_wait3A_995 = arith.constant 6 : i32
    %dma_wait3A_996 = arith.constant 0 : i32
    %dma_wait3A_997 = tpu.memref_slice %arg6[%dma_wait3A_995, %dma_wait3A_996] : memref<8x128xi32, #tpu.memory_space<vmem>> -> memref<1x128xi32, #tpu.memory_space<vmem>>
    %dma_wait3A_998 = tpu.memref_squeeze %dma_wait3A_997 : memref<1x128xi32, #tpu.memory_space<vmem>> -> memref<128xi32, #tpu.memory_space<vmem>>
    %dma_wait3A_999 = arith.constant 0 : i32
    %dma_wait3A_1000 = arith.constant 0 : i32
    %dma_wait3A_1001 = tpu.memref_slice %arg4[%dma_wait3A_999, %dma_wait3A_1000] : memref<384x128xf32, #tpu.memory_space<hbm>> -> memref<384x128xf32, #tpu.memory_space<hbm>>
    tpu.wait_indirect_dma semaphore(%arg16 : memref<!tpu.dma_semaphore, #tpu.memory_space<semaphore_mem>>) src(%dma_wait3A_1001 : memref<384x128xf32, #tpu.memory_space<hbm>>) dst(%arg10 : memref<128x128xf32, #tpu.memory_space<vmem>>)
    %run_scoped3A_1002 = arith.constant 6 : i32
    "tpu.region"() ({
      %run_scoped3A_1019 = tpu.sem_alloc : memref<!tpu.dma_semaphore, #tpu.memory_space<semaphore_mem>>
      %dma_start3A_1020 = arith.constant 0 : i32
      %dma_start3A_1021 = tpu.memref_slice %arg7[%run_scoped3A_1002, %dma_start3A_1020] : memref<8x128xi32, #tpu.memory_space<vmem>> -> memref<1x128xi32, #tpu.memory_space<vmem>>
      %dma_start3A_1022 = tpu.memref_squeeze %dma_start3A_1021 : memref<1x128xi32, #tpu.memory_space<vmem>> -> memref<128xi32, #tpu.memory_space<vmem>>
      %dma_start3A_1023 = arith.constant 0 : i32
      %dma_start3A_1024 = arith.constant 0 : i32
      %dma_start3A_1025 = tpu.memref_slice %arg13[%dma_start3A_1023, %dma_start3A_1024] : memref<4096x128xf32, #tpu.memory_space<vmem_shared>> -> memref<4096x128xf32, #tpu.memory_space<vmem_shared>>
      tpu.enqueue_indirect_dma source(%arg10 : memref<128x128xf32, #tpu.memory_space<vmem>>) target(%dma_start3A_1025 : memref<4096x128xf32, #tpu.memory_space<vmem_shared>>) offsets(%dma_start3A_1022 : memref<128xi32, #tpu.memory_space<vmem>>) semaphore(%run_scoped3A_1019 : memref<!tpu.dma_semaphore, #tpu.memory_space<semaphore_mem>>) {add = true}
      %dma_wait3A_1026 = arith.constant 0 : i32
      %dma_wait3A_1027 = tpu.memref_slice %arg7[%run_scoped3A_1002, %dma_wait3A_1026] : memref<8x128xi32, #tpu.memory_space<vmem>> -> memref<1x128xi32, #tpu.memory_space<vmem>>
      %dma_wait3A_1028 = tpu.memref_squeeze %dma_wait3A_1027 : memref<1x128xi32, #tpu.memory_space<vmem>> -> memref<128xi32, #tpu.memory_space<vmem>>
      %dma_wait3A_1029 = arith.constant 0 : i32
      %dma_wait3A_1030 = arith.constant 0 : i32
      %dma_wait3A_1031 = tpu.memref_slice %arg13[%dma_wait3A_1029, %dma_wait3A_1030] : memref<4096x128xf32, #tpu.memory_space<vmem_shared>> -> memref<4096x128xf32, #tpu.memory_space<vmem_shared>>
      tpu.wait_indirect_dma semaphore(%run_scoped3A_1019 : memref<!tpu.dma_semaphore, #tpu.memory_space<semaphore_mem>>) src(%arg10 : memref<128x128xf32, #tpu.memory_space<vmem>>) dst(%dma_wait3A_1031 : memref<4096x128xf32, #tpu.memory_space<vmem_shared>>)
      tpu.yield
    }) : () -> ()
    %dma_wait3A_1003 = arith.constant 7 : i32
    %dma_wait3A_1004 = arith.constant 0 : i32
    %dma_wait3A_1005 = tpu.memref_slice %arg6[%dma_wait3A_1003, %dma_wait3A_1004] : memref<8x128xi32, #tpu.memory_space<vmem>> -> memref<1x128xi32, #tpu.memory_space<vmem>>
    %dma_wait3A_1006 = tpu.memref_squeeze %dma_wait3A_1005 : memref<1x128xi32, #tpu.memory_space<vmem>> -> memref<128xi32, #tpu.memory_space<vmem>>
    %dma_wait3A_1007 = arith.constant 0 : i32
    %dma_wait3A_1008 = arith.constant 0 : i32
    %dma_wait3A_1009 = tpu.memref_slice %arg4[%dma_wait3A_1007, %dma_wait3A_1008] : memref<384x128xf32, #tpu.memory_space<hbm>> -> memref<384x128xf32, #tpu.memory_space<hbm>>
    tpu.wait_indirect_dma semaphore(%arg17 : memref<!tpu.dma_semaphore, #tpu.memory_space<semaphore_mem>>) src(%dma_wait3A_1009 : memref<384x128xf32, #tpu.memory_space<hbm>>) dst(%arg11 : memref<128x128xf32, #tpu.memory_space<vmem>>)
    %run_scoped3A_1010 = arith.constant 7 : i32
    "tpu.region"() ({
      %run_scoped3A_1019 = tpu.sem_alloc : memref<!tpu.dma_semaphore, #tpu.memory_space<semaphore_mem>>
      %dma_start3A_1020 = arith.constant 0 : i32
      %dma_start3A_1021 = tpu.memref_slice %arg7[%run_scoped3A_1010, %dma_start3A_1020] : memref<8x128xi32, #tpu.memory_space<vmem>> -> memref<1x128xi32, #tpu.memory_space<vmem>>
      %dma_start3A_1022 = tpu.memref_squeeze %dma_start3A_1021 : memref<1x128xi32, #tpu.memory_space<vmem>> -> memref<128xi32, #tpu.memory_space<vmem>>
      %dma_start3A_1023 = arith.constant 0 : i32
      %dma_start3A_1024 = arith.constant 0 : i32
      %dma_start3A_1025 = tpu.memref_slice %arg13[%dma_start3A_1023, %dma_start3A_1024] : memref<4096x128xf32, #tpu.memory_space<vmem_shared>> -> memref<4096x128xf32, #tpu.memory_space<vmem_shared>>
      tpu.enqueue_indirect_dma source(%arg11 : memref<128x128xf32, #tpu.memory_space<vmem>>) target(%dma_start3A_1025 : memref<4096x128xf32, #tpu.memory_space<vmem_shared>>) offsets(%dma_start3A_1022 : memref<128xi32, #tpu.memory_space<vmem>>) semaphore(%run_scoped3A_1019 : memref<!tpu.dma_semaphore, #tpu.memory_space<semaphore_mem>>) {add = true}
      %dma_wait3A_1026 = arith.constant 0 : i32
      %dma_wait3A_1027 = tpu.memref_slice %arg7[%run_scoped3A_1010, %dma_wait3A_1026] : memref<8x128xi32, #tpu.memory_space<vmem>> -> memref<1x128xi32, #tpu.memory_space<vmem>>
      %dma_wait3A_1028 = tpu.memref_squeeze %dma_wait3A_1027 : memref<1x128xi32, #tpu.memory_space<vmem>> -> memref<128xi32, #tpu.memory_space<vmem>>
      %dma_wait3A_1029 = arith.constant 0 : i32
      %dma_wait3A_1030 = arith.constant 0 : i32
      %dma_wait3A_1031 = tpu.memref_slice %arg13[%dma_wait3A_1029, %dma_wait3A_1030] : memref<4096x128xf32, #tpu.memory_space<vmem_shared>> -> memref<4096x128xf32, #tpu.memory_space<vmem_shared>>
      tpu.wait_indirect_dma semaphore(%run_scoped3A_1019 : memref<!tpu.dma_semaphore, #tpu.memory_space<semaphore_mem>>) src(%arg11 : memref<128x128xf32, #tpu.memory_space<vmem>>) dst(%dma_wait3A_1031 : memref<4096x128xf32, #tpu.memory_space<vmem_shared>>)
      tpu.yield
    }) : () -> ()
    %barrier3A_1011 = arith.constant 0 : index
    tpu.barrier barrier_id(%barrier3A_1011)
    %mul3A_1012 = arith.constant 4096 : i32
    %mul3A_1013 = arith.muli %arg0, %mul3A_1012 : i32
    %mul3A_1014 = arith.constant 256 : i32
    %mul3A_1015 = arith.muli %arg1, %mul3A_1014 : i32
    %add3A_1016 = arith.addi %mul3A_1013, %mul3A_1015 : i32
    %mul3A_1017 = arith.constant 256 : i32
    %mul3A_1018 = arith.muli %arg1, %mul3A_1017 : i32
    "tpu.region"() ({
      %run_scoped3A_1019 = tpu.sem_alloc : memref<!tpu.dma_semaphore, #tpu.memory_space<semaphore_mem>>
      %dma_start3A_1020 = arith.constant 0 : i32
      %dma_start3A_1021 = tpu.memref_slice %arg5[%add3A_1016, %dma_start3A_1020] : memref<8192x128xf32, #tpu.memory_space<hbm>> -> memref<256x128xf32, #tpu.memory_space<hbm>>
      %dma_start3A_1022 = arith.constant 0 : i32
      %dma_start3A_1023 = tpu.memref_slice %arg13[%mul3A_1018, %dma_start3A_1022] : memref<4096x128xf32, #tpu.memory_space<vmem_shared>> -> memref<256x128xf32, #tpu.memory_space<vmem_shared>>
      tpu.enqueue_dma source(%dma_start3A_1023 : memref<256x128xf32, #tpu.memory_space<vmem_shared>>) target(%dma_start3A_1021 : memref<256x128xf32, #tpu.memory_space<hbm>>) target_semaphore(%run_scoped3A_1019 : memref<!tpu.dma_semaphore, #tpu.memory_space<semaphore_mem>>)
      %dma_wait3A_1024 = arith.constant 0 : i32
      %dma_wait3A_1025 = tpu.memref_slice %arg5[%add3A_1016, %dma_wait3A_1024] : memref<8192x128xf32, #tpu.memory_space<hbm>> -> memref<256x128xf32, #tpu.memory_space<hbm>>
      %dma_wait3A_1026 = arith.constant 0 : i32
      %dma_wait3A_1027 = tpu.memref_slice %arg13[%mul3A_1018, %dma_wait3A_1026] : memref<4096x128xf32, #tpu.memory_space<vmem_shared>> -> memref<256x128xf32, #tpu.memory_space<vmem_shared>>
      tpu.wait_dma2 semaphore(%run_scoped3A_1019 : memref<!tpu.dma_semaphore, #tpu.memory_space<semaphore_mem>>) src(%dma_wait3A_1027 : memref<256x128xf32, #tpu.memory_space<vmem_shared>>) dst(%dma_wait3A_1025 : memref<256x128xf32, #tpu.memory_space<hbm>>)
      tpu.yield
    }) : () -> ()
    return
  }
}

module attributes {stable_mosaic.version = 14 : i64} {
  func.func @_proj_tc(%arg0: i32, %arg1: memref<2048x128xf32, #tpu.memory_space<vmem>>, %arg2: memref<768x96xf32, #tpu.memory_space<vmem>>, %arg3: memref<2048x768xf32, #tpu.memory_space<vmem>>) attributes {dimension_semantics = [#tpu.dimension_semantics<arbitrary>], iteration_bounds = array<i64: 4>, scalar_prefetch = 0 : i64, scratch_operands = 0 : i64, tpu.core_type = #tpu.core_type<tc>, window_params = [{transform_indices = @transform_0, window_bounds = array<i64: 2048, 128>}, {pipeline_mode = #tpu.pipeline_mode<synchronous>, transform_indices = @transform_1, window_bounds = array<i64: 768, 96>}, {transform_indices = @transform_2, window_bounds = array<i64: 2048, 768>}]} {
    %get3A = arith.constant 0 : index
    %get3A_0 = arith.constant 0 : index
    %get3A_1 = vector.load %arg1[%get3A, %get3A_0] : memref<2048x128xf32, #tpu.memory_space<vmem>>, vector<2048x128xf32>
    %slice3A = vector.extract_strided_slice %get3A_1 {offsets = [0, 96], sizes = [2048, 1], strides = [1, 1]} : vector<2048x128xf32> to vector<2048x1xf32>
    %max3A = arith.constant 1.000000e+00 : f32
    %max3A_2 = vector.broadcast %max3A : f32 to vector<2048x1xf32>
    %max3A_3 = arith.maximumf %slice3A, %max3A_2 : vector<2048x1xf32>
    %div3A = arith.constant 9.79795932 : f32
    %div3A_4 = vector.broadcast %div3A : f32 to vector<2048x1xf32>
    %div3A_5 = arith.divf %div3A_4, %max3A_3 : vector<2048x1xf32>
    %slice3A_6 = vector.extract_strided_slice %get3A_1 {offsets = [0, 0], sizes = [2048, 96], strides = [1, 1]} : vector<2048x128xf32> to vector<2048x96xf32>
    %mul3A = vector.broadcast %div3A_5 : vector<2048x1xf32> to vector<2048x96xf32>
    %mul3A_7 = arith.mulf %slice3A_6, %mul3A : vector<2048x96xf32>
    %convert_element_type3A = arith.truncf %mul3A_7 : vector<2048x96xf32> to vector<2048x96xbf16>
    %get3A_8 = arith.constant 0 : index
    %get3A_9 = arith.constant 0 : index
    %get3A_10 = vector.load %arg2[%get3A_8, %get3A_9] : memref<768x96xf32, #tpu.memory_space<vmem>>, vector<768x96xf32>
    %convert_element_type3A_11 = arith.truncf %get3A_10 : vector<768x96xf32> to vector<768x96xbf16>
    %dot_general3A = arith.constant dense<0.000000e+00> : vector<2048x768xf32>
    %dot_general3A_12 = tpu.matmul %convert_element_type3A, %convert_element_type3A_11, %dot_general3A {dimension_numbers = #tpu.dot_dimension_numbers<[1], [1], [0], [0], [0, 0, 1, 0], [], []>, transpose_lhs_hint = false} : vector<2048x96xbf16>, vector<768x96xbf16>, vector<2048x768xf32> -> vector<2048x768xf32>
    %swap3A = arith.constant 0 : index
    %swap3A_13 = arith.constant 0 : index
    %swap3A_14 = vector.load %arg3[%swap3A, %swap3A_13] : memref<2048x768xf32, #tpu.memory_space<vmem>>, vector<2048x768xf32>
    tpu.vector_store %arg3[%swap3A, %swap3A_13], %dot_general3A_12 {strides = array<i32>} : memref<2048x768xf32, #tpu.memory_space<vmem>>, vector<2048x768xf32>,
    return
  }
  func.func @transform_0(%arg0: i32) -> (i32, i32) {
    %c0_i32 = arith.constant 0 : i32
    %c0_i32_0 = arith.constant 0 : i32
    return %arg0, %c0_i32 : i32, i32
  }
  func.func @transform_1(%arg0: i32) -> (i32, i32) {
    %c0_i32 = arith.constant 0 : i32
    %c0_i32_0 = arith.constant 0 : i32
    %c0_i32_1 = arith.constant 0 : i32
    return %c0_i32, %c0_i32_0 : i32, i32
  }
  func.func @transform_2(%arg0: i32) -> (i32, i32) {
    %c0_i32 = arith.constant 0 : i32
    %c0_i32_0 = arith.constant 0 : i32
    return %arg0, %c0_i32 : i32, i32
  }
}

</mosaic_0001>

<sc_bundles>
// kernel: kernel.4.cloned.1.call-start
scs
__scs_entry_jumppad:
0x0: {  	(pc) =	sbr.rel $0x88, $3  }
0x1: {  	(tag) =	ssettag $0x0;
	lr =	simm.s32 $0x1  }
0x2: {  	[smem:$0x3F9D] =	sst lr;
	_ =	strace $0xD0000000  }
0x3: {  	_ = 	snop  }
0x4: {  	_ = 	snop  }
0x5: {  	_ = 	snop  }
0x6: {  	_ = 	snop  }
0x7: {  	_ = 	snop  }
__scs_overlays_trampoline_lowered:
0x8: {  	[smem:$0x3FAC] =	sst s0  }
0x9: {  	[smem:$0x3FAD] =	sst s1  }
0xa: {  	[smem:$0x3FAE] =	sst s2  }
0xb: {  	[smem:$0x3FAF] =	sst s3  }
0xc: {  	[smem:$0x3FB0] =	sst s4  }
0xd: {  	[smem:$0x3FB1] =	sst s5  }
0xe: {  	[smem:$0x3FB2] =	sst s6  }
0xf: {  	[smem:$0x3FB3] =	sst s7  }
0x10: {  	[smem:$0x3FB4] =	sst s8  }
0x11: {  	[smem:$0x3FB5] =	sst s9;
	s0 =	simm.s32 @!p0 $0x0  }
0x12: {  	s1 =	sld [smem:$0x3F9B];
	s0 =	simm.s32 @p0 $0x1  }
0x13: {  	[smem:$0x3FB6] =	sst s0;
	s0 =	simm.s32 @!p1 $0x0  }
0x14: {  	s2 =	sld [smem:$0x3F9A];
	s0 =	simm.s32 @p1 $0x1  }
0x15: {  	[smem:$0x3FB7] =	sst s0;
	s0 =	simm.s32 @!p2 $0x0  }
0x16: {  	s3 =	sld [smem:$0x3FDB];
	s0 =	simm.s32 @p2 $0x1  }
0x17: {  	s4 =	simm.s32 $0x1BF5;
	[smem:$0x3FB9] =	sst s0  }
0x18: {  	s0 =	sld [smem:$0x3F9C];
	_ =	swait.ge [sflag:s4], $0x0  }
0x19: {  	s7 =	sld [smem:$0x3F9D]  }
0x1a: {  	s8 =	sadd.s32 $0xFFFFE003, lr  }
0x1b: {  	s9 =	sadd.s32 $0xFFFFFEF7, lr;
	s5 =	simm.s32 $0xFFFFFFFF;
	p2 =	slt.u32 s8, $0xFFFFF086  }
0x1c: {  	p1 =	slt.u32 s9, $0xF7A;
	s5 =	simm.s32 @!p2 $0x0  }
0x1d: {  	s5 =	simm.s32 @p1 $0x1;
	p0 =	seq.s32 s7, s2  }
0x1e: {  	s7 =	smul.u32 @!p0 $0xF7A, s2;
	p2 =	seq.s32 @!p0 s5, $0x0  }
0x1f: {  	s9 =	smul.u32 $0xF7A, s1;
	s8 =	simm.s32 @!p0 $0x1BF5;
	p2 =	por !p2, p0  }
0x20: {  	[sflag:s8] =	ssyncset.s32 @!p0 $0xFFFFF086;
	s6 =	sadd.s32 @!p0 s3, s7;
	s7 =	simm.s32 @!p0 $0x108  }
0x21: {  	s3 =	sadd.s32 s3, s9;
	s6 =	sadd.s32 @!p0 $0x88, s6;
	s7 =	simm.s32 @p2 $0x1082  }
0x22: {  	[simem:s7], [sflag:s8] =	dma.local @!p0 [hbm:s6], $0xF7A  }
0x23: {  	s9 =	sor.u32 $0xD0000000, s2;
	s6 =	simm.s32 $0x108;
	_ =	swait.ge @!p0 [sflag:s8], $0x0  }
0x24: {  	s3 =	sadd.s32 $0x88, s3;
	s6 =	simm.s32 @!p1 $0x1082;
	[sflag:s4] =	ssyncset.s32 $0xFFFFF086  }
0x25: {  	[simem:s6], [sflag:s4] =	dma.local [hbm:s3], $0xF7A  }
0x26: {  	[smem:$0x3F9D] =	sst s1;
	(tag) =	ssettag s2;
	_ =	strace s9  }
0x27: {  	s1 =	sld [smem:$0x3FAD]  }
0x28: {  	s2 =	sld [smem:$0x3FAE]  }
0x29: {  	s4 =	sld [smem:$0x3FB0]  }
0x2a: {  	p0 =	seq.s32 s5, $0x0;
	s5 =	sld [smem:$0x3FB1]  }
0x2b: {  	s6 =	sld [smem:$0x3FB2]  }
0x2c: {  	s7 =	sld [smem:$0x3FB3]  }
0x2d: {  	s3 =	simm.s32 $0x108;
	s8 =	sld [smem:$0x3FB4]  }
0x2e: {  	s3 =	simm.s32 @!p0 $0x1082;
	s9 =	sld [smem:$0x3FB5]  }
0x2f: {  	lr =	sadd.s32 s0, s3;
	s0 =	sld [smem:$0x3FAC]  }
0x30: {  	s3 =	sld [smem:$0x3FAF]  }
0x31: {  	[smem:$0x3FB8] =	sst s10  }
0x32: {  	s10 =	sld [smem:$0x3FB6];
	_ =	sdelay $0x3  }
0x33: {  	p0 =	seq.s32 s10, $0x1;
	s10 =	sld [smem:$0x3FB8];
	_ =	sdelay $0x3  }
0x34: {  	[smem:$0x3FB8] =	sst s10  }
0x35: {  	s10 =	sld [smem:$0x3FB7];
	_ =	sdelay $0x3  }
0x36: {  	p1 =	seq.s32 s10, $0x1;
	s10 =	sld [smem:$0x3FB8];
	_ =	sdelay $0x3  }
0x37: {  	[smem:$0x3FB8] =	sst s10  }
0x38: {  	s10 =	sld [smem:$0x3FB9]  }
0x39: {  	_ = 	snop;
	(pc) =	sbr.ind lr, $3  }
0x3a: {  	_ = 	snop  }
0x3b: {  	_ = 	snop  }
0x3c: {  	p2 =	seq.s32 s10, $0x1;
	s10 =	sld [smem:$0x3FB8]  }
0x3d: {  	_ =	shalt  }
0x3e: {  	_ =	shalt  }
0x3f: {  	_ =	shalt  }
0x40: {  	_ =	shalt  }
0x41: {  	_ =	shalt  }
0x42: {  	_ =	shalt  }
0x43: {  	_ =	shalt  }
0x44: {  	_ =	shalt  }
0x45: {  	_ =	shalt  }
0x46: {  	_ =	shalt  }
0x47: {  	_ =	shalt  }
0x48: {  	_ =	shalt  }
0x49: {  	_ =	shalt  }
0x4a: {  	_ =	shalt  }
0x4b: {  	_ =	shalt  }
0x4c: {  	_ =	shalt  }
0x4d: {  	_ =	shalt  }
0x4e: {  	_ =	shalt  }
0x4f: {  	_ =	shalt  }
0x50: {  	_ =	shalt  }
0x51: {  	_ =	shalt  }
0x52: {  	_ =	shalt  }
0x53: {  	_ =	shalt  }
0x54: {  	_ =	shalt  }
0x55: {  	_ =	shalt  }
0x56: {  	_ =	shalt  }
0x57: {  	_ =	shalt  }
0x58: {  	_ =	shalt  }
0x59: {  	_ =	shalt  }
0x5a: {  	_ =	shalt  }
0x5b: {  	_ =	shalt  }
0x5c: {  	_ =	shalt  }
0x5d: {  	_ =	shalt  }
0x5e: {  	_ =	shalt  }
0x5f: {  	_ =	shalt  }
0x60: {  	_ =	shalt  }
0x61: {  	_ =	shalt  }
0x62: {  	_ =	shalt  }
0x63: {  	_ =	shalt  }
0x64: {  	_ =	shalt  }
0x65: {  	_ =	shalt  }
0x66: {  	_ =	shalt  }
0x67: {  	_ =	shalt  }
0x68: {  	_ =	shalt  }
0x69: {  	_ =	shalt  }
0x6a: {  	_ =	shalt  }
0x6b: {  	_ =	shalt  }
0x6c: {  	_ =	shalt  }
0x6d: {  	_ =	shalt  }
0x6e: {  	_ =	shalt  }
0x6f: {  	_ =	shalt  }
0x70: {  	_ =	shalt  }
0x71: {  	_ =	shalt  }
0x72: {  	_ =	shalt  }
0x73: {  	_ =	shalt  }
0x74: {  	_ =	shalt  }
0x75: {  	_ =	shalt  }
0x76: {  	_ =	shalt  }
0x77: {  	_ =	shalt  }
0x78: {  	_ =	shalt  }
0x79: {  	_ =	shalt  }
0x7a: {  	_ =	shalt  }
0x7b: {  	_ =	shalt  }
0x7c: {  	_ =	shalt  }
0x7d: {  	_ =	shalt  }
0x7e: {  	_ =	shalt  }
0x7f: {  	_ =	shalt  }
0x80: {  	_ =	shalt  }
0x81: {  	_ =	shalt  }
0x82: {  	_ =	shalt  }
0x83: {  	_ =	shalt  }
0x84: {  	_ =	shalt  }
0x85: {  	_ =	shalt  }
0x86: {  	_ =	shalt  }
0x87: {  	_ =	shalt  }
.Lfunc_end0:
.L_simem_size_0:
called_computation_lowered:
.L_overlay_start_0:
0x88: {  	s2 =	sld [smem:$0x3FD9]  }
0x89: {  	s3 =	sld [smem:$0x3FFE];
	_ =	sdelay $0x1  }
0x8a: {  	s1 =	srdreg.scid  }
0x8b: {  	s0 =	sand.u32 $0x1, s1  }
0x8c: {  	s17 =	sshll.u32 s0, $0xA;
	s2 =	sadd.s32 s3, s2  }
0x8d: {  	s2 =	sadd.s32 s2, s17  }
0x8e: {  	[smem:$0x3FC4] =	sst s2  }
0x8f: {  	_ = 	snop  }
0x90: {  	s2 =	sld [smem:$0x3FD0];
	(tm) =	ssettm $0x1  }
0x91: {  	s18 =	sld [smem:$0x3FFB];
	_ =	sdelay $0x3  }
0x92: {  	_ =	strace s18  }
0x93: {  	s3 =	sld [smem:$0x3FFC];
	_ =	sdelay $0x3  }
0x94: {  	_ =	strace s3  }
0x95: {  	s3 =	sld [smem:$0x3FFD];
	_ =	sdelay $0x3  }
0x96: {  	_ =	strace s3  }
0x97: {  	_ =	strace $0x8FFFFFFF  }
0x98: {  	s19 =	sld [smem:$0x3FDB];
	_ =	sdelay $0x1  }
0x99: {  	s4 =	simm.s32 $_scs_section_size  }
0x9a: {  	s5 =	simm.s32 $_size__tile_overlayer_lowered;
	s6 =	simm.s32 $_tile_overlayer_lowered  }
0x9b: {  	s22 =	simm.s32 $0x1BFF;
	s21 =	sshll.u32 s6, $0x1;
	s3 =	sadd.s32 s4, s19  }
0x9c: {  	s7 =	simm.s32 $0x0;
	s20 =	sshll.u32 s5, $0x1;
	s5 =	sadd.s32 s21, s3  }
0x9d: {  	[timem:s7], [sflag:s22] =	dma.local [hbm:s5], s20  }
0x9e: {  	_ =	swait.ge [sflag:s22], s20  }
0x9f: {  	s4 =	ssub.s32 $0x0, s20;
	[sflag:s22] =	ssyncset.done $0x0  }
0xa0: {  	[sflag:s22] =	ssyncadd.s32 s4;
	_ =	sdelay $0x1  }
0xa1: {  	s23 =	simm.s32 $0x1B8B  }
0xa2: {  	_ =	swait.ge [sflag:s23], $0x1  }
0xa3: {  	[sflag:s23] =	ssyncset.done $0x0  }
0xa4: {  	s25 =	simm.s32 $0x1B8E;
	s24 =	sld [smem:$0x3FFE];
	[sflag:s23] =	ssyncadd.s32 $0xFFFFFFFF  }
0xa5: {  	s26 =	simm.s32 $execute0_lowered;
	[smem:$0x3FD2] =	sst s25  }
0xa6: {  	s5 =	sshll.u32 s26, $0x1;
	_ =	strace $0x80000046;
	[dreg:$0x1] =	wrdreg $0xFFFFFFFF  }
0xa7: {  	s28 =	simm.s32 $_size_execute0_lowered;
	s3 =	sadd.s32 s3, s5;
	[dreg:$0x0] =	wrdreg $0x0  }
0xa8: {  	s5 =	sshll.u32 s28, $0x1;
	[dreg:$0x2] =	wrdreg s3  }
0xa9: {  	[dreg:$0x3] =	wrdreg s5  }
0xaa: {  	[dreg:$0x4] =	wrdreg $0xC0  }
0xab: {  	_ =	task [dreg:s7], $0x5FFFF  }
0xac: {  	[dreg:$0x1] =	wrdreg $0xFFFFFFFF  }
0xad: {  	[dreg:$0x0] =	wrdreg $0x60  }
0xae: {  	[dreg:$0x2] =	wrdreg s24  }
0xaf: {  	[dreg:$0x3] =	wrdreg s2  }
0xb0: {  	[dreg:$0x4] =	wrdreg $0x148000  }
0xb1: {  	[dreg:$0x5] =	wrdreg $0x9  }
0xb2: {  	_ =	task.clear_ibuf [dreg:s7], $0x6FFFF;
	_ =	strace $0x90000046  }
0xb3: {  	s29 =	simm.s32 $0x9;
	_ =	strace $0x80000048  }
0xb4: {  	_ =	swait.ge [sflag:s29], $0x1  }
0xb5: {  	[sflag:s29] =	ssyncadd.s32 $0xFFFFFFFF  }
0xb6: {  	_ =	strace $0x90000048  }
0xb7: {  	_ =	sfence  }
0xb8: {  	s30 =	sld [smem:$0x0];
	_ =	sdelay $0x2  }
0xb9: {  	s31 =	sshll.u32 s1, $0xD;
	s1 =	sshrl.u32 s1, $0x2  }
0xba: {  	s3 =	sand.u32 $0x4000, s31;
	s1 =	sadd.s32 s1, s30  }
0xbb: {  	s0 =	sor.u32 s3, s0;
	s1 =	sshll.u32 s1, $0x11  }
0xbc: {  	s0 =	sor.u32 s1, s0  }
0xbd: {  	s0 =	sadd.s32 $0x8F2B, s0  }
0xbe: {  	[sflag:s0] =	ssyncadd.remote.s32 $0x1  }
0xbf: {  	_ =	sfence.sel $0xFFFF  }
0xc0: {  	[dreg:$0x0] =	wrdreg $0xFFFFFFFF;
	(pc) =	sbr.abs _section_cstart, $3  }
0xc1: {  	[dreg:$0x1] =	wrdreg $0xFFFFFFFF  }
0xc2: {  	_ =	task.clear_ibuf [dreg:s7], $0x2FFFF;
	_ =	strace $0x9FFFFFFF  }
0xc3: {  	(tm) =	ssettm $0x7FFFFFFF  }
tec
execute0_lowered:
.L_overlay_start_1:
0x0: {  	(tag) =	ssettag $0x1  }
0x1: {  	s0 =	rddreg [dreg:$0x0]  }
0x2: {  	s8 =	rddreg [dreg:$0x1]  }
0x3: {  	s1 =	rddreg [dreg:$0x2]  }
0x4: {  	s3 =	simm.s32 $0x0;
	s4 =	srdreg.scid;
	s2 =	stileid.u32  }
0x5: {  	s11 =	simm.s32 $0x400;
	s12 =	simm.s32 $0x1;
	s13 =	simm.s32 $0x80  }
0x6: {  	s14 =	simm.s32 $0x800;
	s15 =	simm.s32 $0x4800;
	s17 =	simm.s32 $0x8800  }
0x7: {  	s19 =	simm.s32 $0xC800;
	s20 =	simm.s32 $0x5;
	s21 =	simm.s32 $0x10800  }
0x8: {  	s22 =	simm.s32 $0x6;
	s28 =	simm.s32 $0x3;
	s31 =	simm.s32 $0x4  }
0x9: {  	s16 =	simm.s32 $0x380;
	s18 =	simm.s32 $0x600;
	s29 =	simm.s32 $0x0  }
0xa: {  	[smem:$0x7FF] =	sst s3;
	s9 =	sand.u32 $0x1, s4;
	s5 =	sshll.u32 s2, $0x7  }
0xb: {  	s26 =	sshll.u32 s2, $0x8;
	s30 =	sshll.u32 s2, $0xF;
	s10 =	sshll.u32 s2, $0xC  }
0xc: {  	s4 =	sshll.u32 s9, $0xB;
	s6 =	ssub.s32 $0x2, s9;
	_ =	strace $0x80000047  }
0xd: {  	s25 =	sand.u32 $0x800, s26;
	s9 =	sshll.u32 s9, $0x10;
	s10 =	sadd.s32 s8, s10  }
0xe: {  	s26 =	simm.s32 $0x780;
	s4 =	sor.u32 s5, s4;
	s23 =	sshrl.u32 s6, $0x1  }
0xf: {  	s9 =	sadd.s32 s9, s10;
	v0 =	vmov s25;
	s25 =	simm.s32 $0x700;
	s7 =	sadd.s32 s4, s0  }
0x10: {  	s4 =	sadd.s32 $0x2200, s0;
	s24 =	ssub.s32 s6, s23;
	s23 =	simm.s32 $0x680  }
0x11: {  	s5 =	sadd.s32 $0x200, s7;
	s6 =	sadd.s32 $0x1200, s7;
	s7 =	sadd.s32 s30, s1  }
0x12: {  	v1 =	vimm.f32 $0.0e+00;
	s10 =	smax.u32 s24, $0x1;
	s24 =	simm.s32 $0x2;
	s8 =	sadd.s32 $0x4000, s7  }
.LBB2_1:
0x13: {  	[tilespmem:s3], [sflag:$0x1] =	stream.linear.gather [hbm4b:s5+s3], $0x400, $0x38;
	[tilespmem:$0x1C800] =	vst v63  }
0x14: {  	s30 =	simm.s32 $0x0;
	s0 =	simm.s32 $0x200  }
0x15: {  	[tilespmem:s11], [sflag:$0x5] =	stream.linear.gather [hbm4b:s6+s3], $0x400, $0x38;
	[tilespmem:$0x1C800] =	vst v63  }
.LBB2_2:
0x16: {  	p0 =	sne.s32 s0, $0xFE00;
	[tilespmem:s30+$0x10870] =	vst v1  }
0x17: {  	[tilespmem:s30+$0x10800] =	vst v1  }
0x18: {  	[tilespmem:s30+$0x10810] =	vst v1  }
.Ltmp0:
0x19: {  	[tilespmem:s30+$0x10820] =	vst v1;
	(pc) =	sbr.rel @p0 .LBB2_2-.Ltmp0, $4  }
0x1a: {  	[tilespmem:s30+$0x10830] =	vst v1  }
0x1b: {  	[tilespmem:s30+$0x10840] =	vst v1  }
0x1c: {  	[tilespmem:s30+$0x10850] =	vst v1  }
0x1d: {  	[tilespmem:s30+$0x10860] =	vst v1;
	s30 =	sshra.s32 s0, $0x2;
	s0 =	sadd.s32 $0x200, s0  }
0x1e: {  	[tilespmem:s30+$0x10870] =	vst v1  }
0x1f: {  	[tilespmem:s30+$0x10800] =	vst v1  }
0x20: {  	[tilespmem:s30+$0x10810] =	vst v1  }
0x21: {  	[tilespmem:s30+$0x10820] =	vst v1  }
0x22: {  	[tilespmem:s30+$0x10830] =	vst v1  }
0x23: {  	[tilespmem:s30+$0x10840] =	vst v1  }
0x24: {  	[tilespmem:s30+$0x10850] =	vst v1  }
0x25: {  	[tilespmem:s30+$0x10860] =	vst v1  }
0x26: {  	_ =	swait.ge [sflag:s12], $0x400  }
0x27: {  	[sflag:s12] =	ssyncset.done $0x0  }
0x28: {  	[sflag:s12] =	ssyncadd.s32 $0xFFFFFC00  }
0x29: {  	[tilespmem:s14], [sflag:$0x1] =	stream.indirect.gather [hbm4b:s4+s13], $0x80, s3, s13, $0xb8;
	[tilespmem:$0x1C800] =	vst v63  }
0x2a: {  	_ = 	snop  }
0x2b: {  	[tilespmem:s15], [sflag:$0x2] =	stream.indirect.gather [hbm4b:s4+s13], $0x80, s13, s13, $0xb8;
	[tilespmem:$0x1C800] =	vst v63  }
0x2c: {  	s0 =	simm.s32 $0x100  }
0x2d: {  	[tilespmem:s17], [sflag:$0x3] =	stream.indirect.gather [hbm4b:s4+s13], $0x80, s0, s13, $0xb8;
	[tilespmem:$0x1C800] =	vst v63  }
0x2e: {  	s30 =	simm.s32 $0x180  }
0x2f: {  	[tilespmem:s19], [sflag:$0x4] =	stream.indirect.gather [hbm4b:s4+s13], $0x80, s30, s13, $0xb8;
	[tilespmem:$0x1C800] =	vst v63  }
0x30: {  	_ =	swait.ge [sflag:s20], $0x400  }
0x31: {  	[sflag:s20] =	ssyncset.done $0x0  }
0x32: {  	[sflag:s20] =	ssyncadd.s32 $0xFFFFFC00  }
0x33: {  	v2 =	vld [tilespmem:$0x400]  }
0x34: {  	v3 =	vld [tilespmem:$0x410]  }
0x35: {  	v4 =	vld [tilespmem:$0x420]  }
0x36: {  	v5 =	vld [tilespmem:$0x430]  }
0x37: {  	v6 =	vld [tilespmem:$0x440]  }
0x38: {  	v7 =	vld [tilespmem:$0x450];
	v2 =	vadd.s32 v0, v2  }
0x39: {  	[tilespmem:$0x400] =	vst v2;
	v2 =	vadd.s32 v0, v3;
	v3 =	vld [tilespmem:$0x460]  }
0x3a: {  	v18 =	vld [tilespmem:$0x470];
	[tilespmem:$0x410] =	vst v2;
	v2 =	vadd.s32 v0, v4  }
0x3b: {  	v19 =	vld [tilespmem:$0x480];
	[tilespmem:$0x420] =	vst v2;
	v2 =	vadd.s32 v0, v5  }
0x3c: {  	v20 =	vld [tilespmem:$0x490];
	[tilespmem:$0x430] =	vst v2;
	v2 =	vadd.s32 v0, v6  }
0x3d: {  	v21 =	vld [tilespmem:$0x4A0];
	[tilespmem:$0x440] =	vst v2;
	v2 =	vadd.s32 v0, v7  }
0x3e: {  	[tilespmem:$0x450] =	vst v2;
	v2 =	vadd.s32 v0, v3;
	v3 =	vld [tilespmem:$0x4B0]  }
0x3f: {  	v22 =	vld [tilespmem:$0x4C0];
	[tilespmem:$0x460] =	vst v2;
	v2 =	vadd.s32 v0, v18  }
0x40: {  	v23 =	vld [tilespmem:$0x4D0];
	[tilespmem:$0x470] =	vst v2;
	v2 =	vadd.s32 v0, v19  }
0x41: {  	v24 =	vld [tilespmem:$0x4E0];
	[tilespmem:$0x480] =	vst v2;
	v2 =	vadd.s32 v0, v20  }
0x42: {  	v25 =	vld [tilespmem:$0x4F0];
	[tilespmem:$0x490] =	vst v2;
	v2 =	vadd.s32 v0, v21  }
0x43: {  	[tilespmem:$0x4A0] =	vst v2;
	v2 =	vadd.s32 v0, v3;
	v3 =	vld [tilespmem:$0x500]  }
0x44: {  	v26 =	vld [tilespmem:$0x510];
	[tilespmem:$0x4B0] =	vst v2;
	v2 =	vadd.s32 v0, v22  }
0x45: {  	v27 =	vld [tilespmem:$0x520];
	[tilespmem:$0x4C0] =	vst v2;
	v2 =	vadd.s32 v0, v23  }
0x46: {  	v28 =	vld [tilespmem:$0x530];
	[tilespmem:$0x4D0] =	vst v2;
	v2 =	vadd.s32 v0, v24  }
0x47: {  	v29 =	vld [tilespmem:$0x540];
	[tilespmem:$0x4E0] =	vst v2;
	v2 =	vadd.s32 v0, v25  }
0x48: {  	[tilespmem:$0x4F0] =	vst v2;
	v2 =	vadd.s32 v0, v3;
	v3 =	vld [tilespmem:$0x550]  }
0x49: {  	v30 =	vld [tilespmem:$0x560];
	[tilespmem:$0x500] =	vst v2;
	v2 =	vadd.s32 v0, v26  }
0x4a: {  	v31 =	vld [tilespmem:$0x570];
	[tilespmem:$0x510] =	vst v2;
	v2 =	vadd.s32 v0, v27  }
0x4b: {  	v32 =	vld [tilespmem:$0x580];
	[tilespmem:$0x520] =	vst v2;
	v2 =	vadd.s32 v0, v28  }
0x4c: {  	v33 =	vld [tilespmem:$0x590];
	[tilespmem:$0x530] =	vst v2;
	v2 =	vadd.s32 v0, v29  }
0x4d: {  	[tilespmem:$0x540] =	vst v2;
	v2 =	vadd.s32 v0, v3;
	v3 =	vld [tilespmem:$0x5A0]  }
0x4e: {  	v34 =	vld [tilespmem:$0x5B0];
	[tilespmem:$0x550] =	vst v2;
	v2 =	vadd.s32 v0, v30  }
0x4f: {  	v35 =	vld [tilespmem:$0x5C0];
	[tilespmem:$0x560] =	vst v2;
	v2 =	vadd.s32 v0, v31  }
0x50: {  	v36 =	vld [tilespmem:$0x5D0];
	[tilespmem:$0x570] =	vst v2;
	v2 =	vadd.s32 v0, v32  }
0x51: {  	v37 =	vld [tilespmem:$0x5E0];
	[tilespmem:$0x580] =	vst v2;
	v2 =	vadd.s32 v0, v33  }
0x52: {  	[tilespmem:$0x590] =	vst v2;
	v2 =	vadd.s32 v0, v3;
	v3 =	vld [tilespmem:$0x5F0]  }
0x53: {  	v38 =	vld [tilespmem:$0x600];
	[tilespmem:$0x5A0] =	vst v2;
	v2 =	vadd.s32 v0, v34  }
0x54: {  	v39 =	vld [tilespmem:$0x610];
	[tilespmem:$0x5B0] =	vst v2;
	v2 =	vadd.s32 v0, v35  }
0x55: {  	v40 =	vld [tilespmem:$0x620];
	[tilespmem:$0x5C0] =	vst v2;
	v2 =	vadd.s32 v0, v36  }
0x56: {  	v41 =	vld [tilespmem:$0x630];
	[tilespmem:$0x5D0] =	vst v2;
	v2 =	vadd.s32 v0, v37  }
0x57: {  	[tilespmem:$0x5E0] =	vst v2;
	v2 =	vadd.s32 v0, v3;
	v3 =	vld [tilespmem:$0x640]  }
0x58: {  	v42 =	vld [tilespmem:$0x650];
	[tilespmem:$0x5F0] =	vst v2;
	v2 =	vadd.s32 v0, v38  }
0x59: {  	v43 =	vld [tilespmem:$0x660];
	[tilespmem:$0x600] =	vst v2;
	v2 =	vadd.s32 v0, v39  }
0x5a: {  	v44 =	vld [tilespmem:$0x670];
	[tilespmem:$0x610] =	vst v2;
	v2 =	vadd.s32 v0, v40  }
0x5b: {  	v45 =	vld [tilespmem:$0x680];
	[tilespmem:$0x620] =	vst v2;
	v2 =	vadd.s32 v0, v41  }
0x5c: {  	[tilespmem:$0x630] =	vst v2;
	v2 =	vadd.s32 v0, v3;
	v3 =	vld [tilespmem:$0x690]  }
0x5d: {  	v46 =	vld [tilespmem:$0x6A0];
	[tilespmem:$0x640] =	vst v2;
	v2 =	vadd.s32 v0, v42  }
0x5e: {  	v47 =	vld [tilespmem:$0x6B0];
	[tilespmem:$0x650] =	vst v2;
	v2 =	vadd.s32 v0, v43  }
0x5f: {  	v48 =	vld [tilespmem:$0x6C0];
	[tilespmem:$0x660] =	vst v2;
	v2 =	vadd.s32 v0, v44  }
0x60: {  	v49 =	vld [tilespmem:$0x6D0];
	[tilespmem:$0x670] =	vst v2;
	v2 =	vadd.s32 v0, v45  }
0x61: {  	[tilespmem:$0x680] =	vst v2;
	v2 =	vadd.s32 v0, v3;
	v3 =	vld [tilespmem:$0x6E0]  }
0x62: {  	v50 =	vld [tilespmem:$0x6F0];
	[tilespmem:$0x690] =	vst v2;
	v2 =	vadd.s32 v0, v46  }
0x63: {  	v51 =	vld [tilespmem:$0x700];
	[tilespmem:$0x6A0] =	vst v2;
	v2 =	vadd.s32 v0, v47  }
0x64: {  	v52 =	vld [tilespmem:$0x710];
	[tilespmem:$0x6B0] =	vst v2;
	v2 =	vadd.s32 v0, v48  }
0x65: {  	v53 =	vld [tilespmem:$0x720];
	[tilespmem:$0x6C0] =	vst v2;
	v2 =	vadd.s32 v0, v49  }
0x66: {  	[tilespmem:$0x6D0] =	vst v2;
	v2 =	vadd.s32 v0, v3;
	v3 =	vld [tilespmem:$0x730]  }
0x67: {  	v54 =	vld [tilespmem:$0x740];
	[tilespmem:$0x6E0] =	vst v2;
	v2 =	vadd.s32 v0, v50  }
0x68: {  	v55 =	vld [tilespmem:$0x750];
	[tilespmem:$0x6F0] =	vst v2;
	v2 =	vadd.s32 v0, v51  }
0x69: {  	v56 =	vld [tilespmem:$0x760];
	[tilespmem:$0x700] =	vst v2;
	v2 =	vadd.s32 v0, v52  }
0x6a: {  	v57 =	vld [tilespmem:$0x770];
	[tilespmem:$0x710] =	vst v2;
	v2 =	vadd.s32 v0, v53  }
0x6b: {  	[tilespmem:$0x720] =	vst v2;
	v2 =	vadd.s32 v0, v3;
	v3 =	vld [tilespmem:$0x780]  }
0x6c: {  	v58 =	vld [tilespmem:$0x790];
	[tilespmem:$0x730] =	vst v2;
	v2 =	vadd.s32 v0, v54  }
0x6d: {  	v59 =	vld [tilespmem:$0x7A0];
	[tilespmem:$0x740] =	vst v2;
	v2 =	vadd.s32 v0, v55  }
0x6e: {  	v60 =	vld [tilespmem:$0x7B0];
	[tilespmem:$0x750] =	vst v2;
	v2 =	vadd.s32 v0, v56  }
0x6f: {  	v61 =	vld [tilespmem:$0x7C0];
	[tilespmem:$0x760] =	vst v2;
	v2 =	vadd.s32 v0, v57  }
0x70: {  	[tilespmem:$0x770] =	vst v2;
	v2 =	vadd.s32 v0, v3;
	v3 =	vld [tilespmem:$0x7D0]  }
0x71: {  	v62 =	vld [tilespmem:$0x7E0];
	[tilespmem:$0x780] =	vst v2;
	v2 =	vadd.s32 v0, v58  }
0x72: {  	v63 =	vld [tilespmem:$0x7F0];
	[tilespmem:$0x790] =	vst v2;
	v2 =	vadd.s32 v0, v59  }
0x73: {  	[tilespmem:$0x7A0] =	vst v2;
	v2 =	vadd.s32 v0, v60  }
0x74: {  	[tilespmem:$0x7B0] =	vst v2;
	v2 =	vadd.s32 v0, v61  }
0x75: {  	[tilespmem:$0x7C0] =	vst v2;
	v2 =	vadd.s32 v0, v3  }
0x76: {  	[tilespmem:$0x7D0] =	vst v2;
	v2 =	vadd.s32 v0, v62  }
0x77: {  	[tilespmem:$0x7E0] =	vst v2;
	v2 =	vadd.s32 v0, v63  }
0x78: {  	[tilespmem:$0x7F0] =	vst v2  }
0x79: {  	[spmem:s7] =	stream.linear.scatter [tilespmem:s21], [sflag:$0x6], $0x4000, $0x38;
	[tilespmem:$0x1C800] =	vst v63  }
0x7a: {  	_ =	swait.ge [sflag:s22], $0x4000  }
0x7b: {  	[sflag:s22] =	ssyncset.done $0x0  }
0x7c: {  	[sflag:s22] =	ssyncadd.s32 $0xFFFFC000  }
0x7d: {  	[spmem:s8] =	stream.linear.scatter [tilespmem:s21], [sflag:$0x6], $0x4000, $0x38;
	[tilespmem:$0x1C800] =	vst v63  }
0x7e: {  	_ =	swait.ge [sflag:s22], $0x4000  }
0x7f: {  	[sflag:s22] =	ssyncset.done $0x0  }
0x80: {  	[sflag:s22] =	ssyncadd.s32 $0xFFFFC000  }
0x81: {  	[bflag:$0x0] =	sbarrier.arrive $0xFFFF  }
0x82: {  	_ =	swait.ge [sflag:s12], $0x4000  }
0x83: {  	[sflag:s12] =	ssyncset.done $0x0  }
0x84: {  	[sflag:s12] =	ssyncadd.s32 $0xFFFFC000  }
0x85: {  	[spmem:s1] =	stream.indirect.scatter.add.f32 [tilespmem:s14], [sflag:$0x6], $0x80, s11, s13, $0xb8;
	[tilespmem:$0x1C800] =	vst v63  }
0x86: {  	_ =	swait.ge [sflag:s22], $0x4000  }
0x87: {  	[sflag:s22] =	ssyncset.done $0x0  }
0x88: {  	s30 =	simm.s32 $0x200;
	[sflag:s22] =	ssyncadd.s32 $0xFFFFC000  }
0x89: {  	[tilespmem:s14], [sflag:$0x1] =	stream.indirect.gather [hbm4b:s4+s13], $0x80, s30, s13, $0xb8;
	[tilespmem:$0x1C800] =	vst v63  }
0x8a: {  	_ =	swait.ge [sflag:s24], $0x4000  }
0x8b: {  	[sflag:s24] =	ssyncset.done $0x0  }
0x8c: {  	s30 =	simm.s32 $0x480;
	[sflag:s24] =	ssyncadd.s32 $0xFFFFC000  }
0x8d: {  	[spmem:s1] =	stream.indirect.scatter.add.f32 [tilespmem:s15], [sflag:$0x6], $0x80, s30, s13, $0xb8;
	[tilespmem:$0x1C800] =	vst v63  }
0x8e: {  	_ =	swait.ge [sflag:s22], $0x4000  }
0x8f: {  	[sflag:s22] =	ssyncset.done $0x0  }
0x90: {  	s30 =	simm.s32 $0x280;
	[sflag:s22] =	ssyncadd.s32 $0xFFFFC000  }
0x91: {  	[tilespmem:s15], [sflag:$0x2] =	stream.indirect.gather [hbm4b:s4+s13], $0x80, s30, s13, $0xb8;
	[tilespmem:$0x1C800] =	vst v63  }
0x92: {  	_ =	swait.ge [sflag:s28], $0x4000  }
0x93: {  	[sflag:s28] =	ssyncset.done $0x0  }
0x94: {  	s30 =	simm.s32 $0x500;
	[sflag:s28] =	ssyncadd.s32 $0xFFFFC000  }
0x95: {  	[spmem:s1] =	stream.indirect.scatter.add.f32 [tilespmem:s17], [sflag:$0x6], $0x80, s30, s13, $0xb8;
	[tilespmem:$0x1C800] =	vst v63  }
0x96: {  	_ =	swait.ge [sflag:s22], $0x4000  }
0x97: {  	[sflag:s22] =	ssyncset.done $0x0  }
0x98: {  	s30 =	simm.s32 $0x300;
	[sflag:s22] =	ssyncadd.s32 $0xFFFFC000  }
0x99: {  	[tilespmem:s17], [sflag:$0x3] =	stream.indirect.gather [hbm4b:s4+s13], $0x80, s30, s13, $0xb8;
	[tilespmem:$0x1C800] =	vst v63  }
0x9a: {  	_ =	swait.ge [sflag:s31], $0x4000  }
0x9b: {  	[sflag:s31] =	ssyncset.done $0x0  }
0x9c: {  	s30 =	simm.s32 $0x580;
	[sflag:s31] =	ssyncadd.s32 $0xFFFFC000  }
0x9d: {  	[spmem:s1] =	stream.indirect.scatter.add.f32 [tilespmem:s19], [sflag:$0x6], $0x80, s30, s13, $0xb8;
	[tilespmem:$0x1C800] =	vst v63  }
0x9e: {  	_ =	swait.ge [sflag:s22], $0x4000  }
0x9f: {  	[sflag:s22] =	ssyncset.done $0x0  }
0xa0: {  	[sflag:s22] =	ssyncadd.s32 $0xFFFFC000  }
0xa1: {  	[tilespmem:s19], [sflag:$0x4] =	stream.indirect.gather [hbm4b:s4+s13], $0x80, s16, s13, $0xb8;
	[tilespmem:$0x1C800] =	vst v63  }
0xa2: {  	_ =	swait.ge [sflag:s12], $0x4000  }
0xa3: {  	[sflag:s12] =	ssyncset.done $0x0  }
0xa4: {  	[sflag:s12] =	ssyncadd.s32 $0xFFFFC000  }
0xa5: {  	[spmem:s1] =	stream.indirect.scatter.add.f32 [tilespmem:s14], [sflag:$0x6], $0x80, s18, s13, $0xb8;
	[tilespmem:$0x1C800] =	vst v63  }
0xa6: {  	_ =	swait.ge [sflag:s22], $0x4000  }
0xa7: {  	[sflag:s22] =	ssyncset.done $0x0  }
0xa8: {  	[sflag:s22] =	ssyncadd.s32 $0xFFFFC000  }
0xa9: {  	_ =	swait.ge [sflag:s24], $0x4000  }
0xaa: {  	[sflag:s24] =	ssyncset.done $0x0  }
0xab: {  	[sflag:s24] =	ssyncadd.s32 $0xFFFFC000  }
0xac: {  	[spmem:s1] =	stream.indirect.scatter.add.f32 [tilespmem:s15], [sflag:$0x6], $0x80, s23, s13, $0xb8;
	[tilespmem:$0x1C800] =	vst v63  }
0xad: {  	_ =	swait.ge [sflag:s22], $0x4000  }
0xae: {  	[sflag:s22] =	ssyncset.done $0x0  }
0xaf: {  	[sflag:s22] =	ssyncadd.s32 $0xFFFFC000  }
0xb0: {  	_ =	swait.ge [sflag:s28], $0x4000  }
0xb1: {  	[sflag:s28] =	ssyncset.done $0x0  }
0xb2: {  	[sflag:s28] =	ssyncadd.s32 $0xFFFFC000  }
0xb3: {  	[spmem:s1] =	stream.indirect.scatter.add.f32 [tilespmem:s17], [sflag:$0x6], $0x80, s25, s13, $0xb8;
	[tilespmem:$0x1C800] =	vst v63  }
0xb4: {  	_ =	swait.ge [sflag:s22], $0x4000  }
0xb5: {  	[sflag:s22] =	ssyncset.done $0x0  }
0xb6: {  	[sflag:s22] =	ssyncadd.s32 $0xFFFFC000  }
0xb7: {  	_ =	swait.ge [sflag:s31], $0x4000  }
0xb8: {  	[sflag:s31] =	ssyncset.done $0x0  }
0xb9: {  	[sflag:s31] =	ssyncadd.s32 $0xFFFFC000  }
0xba: {  	[spmem:s1] =	stream.indirect.scatter.add.f32 [tilespmem:s19], [sflag:$0x6], $0x80, s26, s13, $0xb8;
	[tilespmem:$0x1C800] =	vst v63  }
0xbb: {  	_ =	swait.ge [sflag:s22], $0x4000  }
0xbc: {  	s29 =	sadd.s32 $0x1, s29;
	s30 =	sshll.u32 s2, $0x6;
	[sflag:s22] =	ssyncset.done $0x0  }
0xbd: {  	p0 =	sne.s32 s29, s10;
	s0 =	sor.u32 $0x1C06, s30;
	[sflag:s22] =	ssyncadd.s32 $0xFFFFC000  }
.Ltmp1:
0xbe: {  	s30 =	sshrl.u32 s7, $0x3;
	[bflag:$0x0] =	sbarrier.arrive $0xFFFF;
	(pc) =	sbr.rel @p0 .LBB2_1-.Ltmp1, $4  }
0xbf: {  	[hbm:s9], [sflag:s0] =	dma.local [spmem:s30], $0x1000  }
0xc0: {  	_ =	swait.ge [sflag:s22], $0x1000  }
0xc1: {  	[sflag:s22] =	ssyncset.done $0x0  }
0xc2: {  	[sflag:s22] =	ssyncadd.s32 $0xFFFFF000  }
0xc3: {  	_ =	sfence.sel $0x180000  }
0xc4: {  	[bflag:$0x0] =	sbarrier.arrive $0xFFFF  }
0xc5: {  	_ =	strace $0x90000047  }
0xc6: {  	[bflag:$0x2] =	sbarrier.arrive $0xFFFF  }
0xc7: {  	p0 =	sne.s32 s2, $0x0;
	s0 =	rddreg [dreg:$0x3]  }
0xc8: {  	s0 =	sadd.s32 @!p0 $0x100000, s0  }
0xc9: {  	[sflag:s0] =	ssyncadd.tile.s32 @!p0 $0x1;
	_ =	shalt  }
.Lfunc_end2:
_tile_overlayer_lowered:
.L_overlay_start_2:
0xca: {  	(tag) =	ssettag $0x2  }
0xcb: {  	s0 =	rddreg [dreg:$0x0];
	s2 =	stileid.u32  }
0xcc: {  	s1 =	rddreg [dreg:$0x1];
	p0 =	sne.s32 s2, $0x0  }
0xcd: {  	s3 =	rddreg [dreg:$0x2];
	[bflag:$0x3] =	sbarrier.arrive $0xFFFF;
	s2 =	simm.s32 @!p0 $0x1C06  }
0xce: {  	[timem:s3], [sflag:s2] =	dma.local @!p0 [hbm:s0], s1  }
0xcf: {  	s0 =	simm.s32 @!p0 $0x6  }
0xd0: {  	_ =	swait.ge @!p0 [sflag:s0], s1  }
0xd1: {  	s1 =	ssub.s32 @!p0 $0x0, s1;
	[sflag:s0] =	ssyncset.done @!p0 $0x0  }
0xd2: {  	[sflag:s0] =	ssyncadd.s32 @!p0 s1  }
0xd3: {  	[bflag:$0x3] =	sbarrier.arrive $0xFFFF  }
0xd4: {  	_ =	shalt  }

</sc_bundles>
